<compile_context>
chip_gen: v7x
topology: tpu7x:2x2x1
jax: 0.10.2.dev20260603
libtpu: 0.0.44.dev20260713+nightly
codegen_flags: <defaults>
</compile_context>

<pallas_src>
import functools

import jax
import jax.numpy as jnp
from jax import lax
from jax.experimental import pallas as pl
from jax.experimental.pallas import tpu as pltpu
from jax.experimental.pallas import tpu_sc as plsc

N = 10000
E = 320000
G = 8
F_IN = 128
D1 = 32
D2 = 64
EMB = 64
BN_EPS = 1e-5

W = 128
ACC_ROWS = 10240
DUMMY = N
CHUNK = 80
NSC = 2
NSUB = 16
TILES = NSC * NSUB
EPT = E // TILES
NCHUNK = EPT // CHUNK
ZROWS = ACC_ROWS // NSUB


@functools.lru_cache(maxsize=None)
def _make_seg_sum():
    mesh = plsc.VectorSubcoreMesh(core_axis_name="c", subcore_axis_name="s",
                                  num_cores=NSC, num_subcores=NSUB)

    @functools.partial(
        pl.kernel,
        out_type=jax.ShapeDtypeStruct((NSC, ACC_ROWS, W), jnp.float32),
        mesh=mesh,
        scratch_types=[
            pltpu.VMEM((EPT,), jnp.int32),
            pltpu.VMEM((NCHUNK, CHUNK), jnp.int32),
            pltpu.VMEM((2, CHUNK, W), jnp.float32),
            pltpu.VMEM_SHARED((ACC_ROWS, W), jnp.float32),
            pltpu.SemaphoreType.DMA,
            pltpu.SemaphoreType.DMA,
            pltpu.SemaphoreType.DMA,
            pltpu.SemaphoreType.DMA,
            pltpu.SemaphoreType.DMA,
        ],
    )
    def seg(tab_hbm, src_hbm, dst_hbm, zer_hbm, out_hbm, src_v, dm_v,
            rows_v, acc, sem0, sem1, ssem0, ssem1, zsem):
        c = lax.axis_index("c")
        s = lax.axis_index("s")
        tile = c * NSUB + s
        base = tile * EPT

        zcp = pltpu.async_copy(zer_hbm.at[pl.ds(s * ZROWS, ZROWS)],
                               acc.at[pl.ds(s * ZROWS, ZROWS)], zsem)
        pltpu.sync_copy(src_hbm.at[pl.ds(base, EPT)], src_v)

        def dst_fire(i, carry):
            pltpu.async_copy(dst_hbm.at[pl.ds(base + i * CHUNK, CHUNK)],
                             dm_v.at[i], sem0)
            return carry

        lax.fori_loop(0, NCHUNK, dst_fire, 0)

        def dst_drain(i, carry):
            pltpu.make_async_copy(dst_hbm.at[pl.ds(base, CHUNK)],
                                  dm_v.at[0], sem0).wait()
            return carry

        lax.fori_loop(0, NCHUNK, dst_drain, 0)

        def mask_body(i, carry):
            off = ((base + i * CHUNK) // 40000) * 1250
            for k in range(CHUNK // 16):
                sl = pl.ds(k * 16, 16)
                sv = src_v[pl.ds(i * CHUNK + k * 16, 16)]
                dv = dm_v[i, sl]
                ok = (sv >= off) & (dv >= off)
                dm_v[i, sl] = jnp.where(ok, dv, DUMMY)
            return carry

        lax.fori_loop(0, NCHUNK, mask_body, 0)
        zcp.wait()
        plsc.subcore_barrier()

        gsems = (sem0, sem1)
        ssems = (ssem0, ssem1)

        def gather(i, b):
            pltpu.async_copy(tab_hbm.at[src_v.at[pl.ds(i * CHUNK, CHUNK)]],
                             rows_v.at[b], gsems[b])

        def wait_gather(b):
            pltpu.make_async_copy(tab_hbm.at[src_v.at[pl.ds(0, CHUNK)]],
                                  rows_v.at[b], gsems[b]).wait()

        def scat(i, b):
            pass

        def wait_scat(b):
            pass

        gather(0, 0)
        gather(1, 1)

        def pair_body(j, carry):
            i0 = 2 * j
            wait_gather(0)
            scat(i0, 0)
            wait_scat(0)

            @pl.when(i0 + 2 < NCHUNK)
            def _():
                gather(i0 + 2, 0)

            wait_gather(1)
            scat(i0 + 1, 1)
            wait_scat(1)

            @pl.when(i0 + 3 < NCHUNK)
            def _():
                gather(i0 + 3, 1)

            return carry

        lax.fori_loop(0, NCHUNK // 2, pair_body, 0)
        wait_gather(0)
        scat(NCHUNK - 1, 0)
        wait_scat(0)

        plsc.subcore_barrier()
        pltpu.sync_copy(acc.at[pl.ds(s * ZROWS, ZROWS)],
                        out_hbm.at[c, pl.ds(s * ZROWS, ZROWS)])

    return seg


def _mlp1_body(x_ref, p_ref, w1_ref, b1_ref, w2_ref, b2_ref, g1_ref, be1_ref,
               w3_ref, z_ref):
    h = x_ref[...] + p_ref[0, :N, :] + p_ref[1, :N, :]
    h = jnp.dot(h, w1_ref[...], preferred_element_type=jnp.float32) + b1_ref[...]
    h = jnp.maximum(h, 0.0)
    h = jnp.dot(h, w2_ref[...], preferred_element_type=jnp.float32) + b2_ref[...]
    h = jnp.maximum(h, 0.0)
    m = jnp.mean(h, axis=0)
    v = jnp.mean((h - m) ** 2, axis=0)
    h = (h - m) / jnp.sqrt(v + BN_EPS) * g1_ref[...] + be1_ref[...]
    z = jnp.dot(h, w3_ref[...], preferred_element_type=jnp.float32)
    z_ref[...] = jnp.concatenate(
        [z, jnp.zeros((N, W - D2), jnp.float32)], axis=1)


def _mlp2_body(z_ref, q_ref, b3_ref, w4_ref, b4_ref, g2_ref, be2_ref,
               batch_ref, o_ref):
    h = z_ref[:, :D2] + q_ref[0, :N, :D2] + q_ref[1, :N, :D2] + b3_ref[...]
    h = jnp.maximum(h, 0.0)
    h = jnp.dot(h, w4_ref[...], preferred_element_type=jnp.float32) + b4_ref[...]
    h = jnp.maximum(h, 0.0)
    m = jnp.mean(h, axis=0)
    v = jnp.mean((h - m) ** 2, axis=0)
    h = (h - m) / jnp.sqrt(v + BN_EPS) * g2_ref[...] + be2_ref[...]
    onehot = (batch_ref[...] ==
              lax.broadcasted_iota(jnp.int32, (1, G), 1)).astype(jnp.float32)
    sums = lax.dot_general(onehot, h, (((0,), (0,)), ((), ())),
                           preferred_element_type=jnp.float32)
    cnt = jnp.sum(onehot, axis=0)
    o_ref[...] = sums / jnp.maximum(cnt, 1.0)[:, None]


def kernel(x, edge_index, batch, num_graphs, num_nodes,
           W1, b1, W2, b2, g1, be1, W3, b3, W4, b4, g2, be2):
    src = edge_index[0]
    dst = edge_index[1]
    zer = jnp.zeros((ACC_ROWS, W), jnp.float32)

    p = _make_seg_sum()(x, src, dst, zer)

    z = pl.pallas_call(
        _mlp1_body,
        out_shape=jax.ShapeDtypeStruct((N, W), jnp.float32),
    )(x, p, W1, b1, W2, b2, g1, be1, W3)

    q = _make_seg_sum()(z, src, dst, zer)

    out = pl.pallas_call(
        _mlp2_body,
        out_shape=jax.ShapeDtypeStruct((G, EMB), jnp.float32),
    )(z, q, b3, W4, b4, g2, be2, batch.reshape(N, 1))
    return out

# --- scband reference (transcript-rebuilt; emitter-appended) ---
"""Pipeline reference for scband-gin-model-77309411650 (READ-ONLY COPY).

The authoritative reference and input builder live on the scoring server;
editing this copy changes nothing except your own understanding.
"""

import jax, jax.numpy as jnp
import numpy as np

N = 10000
E = 320000
F_IN = 128
D1 = 32
D2 = 64
EMB = 64
G = 8
BN_EPS = 1e-5


def setup_inputs(seed: int = 0) -> dict:
    key = jax.random.key(seed)
    ks = jax.random.split(key, 16)
    x = jax.random.normal(ks[0], (N, F_IN), dtype=jnp.float32)
    edge_index = jax.random.randint(ks[1], (2, E), 0, N, dtype=jnp.int32)
    batch = jnp.sort(jax.random.randint(ks[2], (N,), 0, G, dtype=jnp.int32))
    s1 = 1.0 / np.sqrt(F_IN)
    s2 = 1.0 / np.sqrt(D1)
    s3 = 1.0 / np.sqrt(D2)
    W1 = jax.random.uniform(ks[3], (F_IN, D1), jnp.float32, -s1, s1)
    b1 = jax.random.uniform(ks[4], (D1,), jnp.float32, -s1, s1)
    W2 = jax.random.uniform(ks[5], (D1, D2), jnp.float32, -s2, s2)
    b2 = jax.random.uniform(ks[6], (D2,), jnp.float32, -s2, s2)
    g1 = jnp.ones((D2,), jnp.float32)
    be1 = jnp.zeros((D2,), jnp.float32)
    W3 = jax.random.uniform(ks[7], (D2, D2), jnp.float32, -s3, s3)
    b3 = jax.random.uniform(ks[8], (D2,), jnp.float32, -s3, s3)
    W4 = jax.random.uniform(ks[9], (D2, EMB), jnp.float32, -s3, s3)
    b4 = jax.random.uniform(ks[10], (EMB,), jnp.float32, -s3, s3)
    g2 = jnp.ones((EMB,), jnp.float32)
    be2 = jnp.zeros((EMB,), jnp.float32)
    return {"x": x, "edge_index": edge_index, "batch": batch,
            "num_graphs": G, "num_nodes": N,
            "W1": W1, "b1": b1, "W2": W2, "b2": b2, "g1": g1, "be1": be1,
            "W3": W3, "b3": b3, "W4": W4, "b4": b4, "g2": g2, "be2": be2}


def _batchnorm(h, gamma, beta):
    mean = jnp.mean(h, axis=0)
    var = jnp.var(h, axis=0)
    return (h - mean) / jnp.sqrt(var + BN_EPS) * gamma + beta


def reference(x, edge_index, batch, num_graphs, num_nodes,
              W1, b1, W2, b2, g1, be1, W3, b3, W4, b4, g2, be2):
    n_edges = edge_index.shape[1]
    # edge_mask filtering, faithful to the torch code
    offsets = jnp.repeat(jnp.arange(G), n_edges // G).astype(jnp.float32) * (num_nodes / num_graphs)
    valid = jnp.all(edge_index.astype(jnp.float32) - offsets[None, :] >= 0.0, axis=0)
    n = x.shape[0]
    src = edge_index[0]
    dst = jnp.where(valid, edge_index[1], n)
    # GINConv 1 (eps=0): nn((1+eps)*x + sum_{j in N(i)} x_j)
    agg = jax.ops.segment_sum(x[src], dst, num_segments=n)
    h = x + agg
    h = jnp.maximum(h @ W1 + b1, 0.0) @ W2 + b2
    h = jnp.maximum(h, 0.0)
    h = _batchnorm(h, g1, be1)
    # GINConv 2
    agg2 = jax.ops.segment_sum(h[src], dst, num_segments=n)
    h2 = h + agg2
    h2 = jnp.maximum(h2 @ W3 + b3, 0.0) @ W4 + b4
    h2 = jnp.maximum(h2, 0.0)
    h2 = _batchnorm(h2, g2, be2)
    # global mean pool
    sums = jax.ops.segment_sum(h2, batch, num_segments=G)
    counts = jax.ops.segment_sum(jnp.ones((n,), jnp.float32), batch, num_segments=G)
    out = sums / jnp.maximum(counts, 1.0)[:, None]
    return out

if __name__ == "__main__":
    import jax
    _d = setup_inputs()
    print(jax.jit(kernel)(*tuple(_d.values())))

</pallas_src>

<mosaic_0001>
#map = affine_map<(d0, d1) -> (0, 0)>
#map1 = affine_map<(d0, d1) -> (0)>
#map2 = affine_map<(d0, d1) -> (0, 0, 0)>
module attributes {stable_mosaic.version = 14 : i64} {
  func.func @seg(%arg0: i32, %arg1: i32, %arg2: memref<10000x128xf32, #tpu.memory_space<hbm>>, %arg3: memref<320000xi32, #tpu.memory_space<hbm>>, %arg4: memref<320000xi32, #tpu.memory_space<hbm>>, %arg5: memref<10240x128xf32, #tpu.memory_space<hbm>>, %arg6: memref<2x10240x128xf32, #tpu.memory_space<hbm>>, %arg7: memref<10000xi32, #tpu.memory_space<vmem>>, %arg8: memref<125x80xi32, #tpu.memory_space<vmem>>, %arg9: memref<2x80x128xf32, #tpu.memory_space<vmem>>, %arg10: memref<10240x128xf32, #tpu.memory_space<vmem_shared>>, %arg11: memref<!tpu.dma_semaphore, #tpu.memory_space<semaphore_mem>>, %arg12: memref<!tpu.dma_semaphore, #tpu.memory_space<semaphore_mem>>, %arg13: memref<!tpu.dma_semaphore, #tpu.memory_space<semaphore_mem>>, %arg14: memref<!tpu.dma_semaphore, #tpu.memory_space<semaphore_mem>>, %arg15: memref<!tpu.dma_semaphore, #tpu.memory_space<semaphore_mem>>) attributes {dimension_semantics = [#tpu.dimension_semantics<core_parallel>, #tpu.dimension_semantics<subcore_parallel>], iteration_bounds = array<i64: 2, 16>, scalar_prefetch = 0 : i64, scratch_operands = 9 : i64, tpu.core_type = #tpu.core_type<sc_vector_subcore>, window_params = [{transform_indices = #map}, {transform_indices = #map1}, {transform_indices = #map1}, {transform_indices = #map}, {transform_indices = #map2}]} {
    %mul3A = arith.constant 16 : i32
    %mul3A_0 = arith.muli %arg0, %mul3A : i32
    %add3A = arith.addi %mul3A_0, %arg1 : i32
    %mul3A_1 = arith.constant 10000 : i32
    %mul3A_2 = arith.muli %add3A, %mul3A_1 : i32
    %mul3A_3 = arith.constant 640 : i32
    %mul3A_4 = arith.muli %arg1, %mul3A_3 : i32
    %mul3A_5 = arith.constant 640 : i32
    %mul3A_6 = arith.muli %arg1, %mul3A_5 : i32
    %dma_start3A = arith.constant 0 : i32
    %dma_start3A_7 = tpu.memref_slice %arg10[%mul3A_6, %dma_start3A] : memref<10240x128xf32, #tpu.memory_space<vmem_shared>> -> memref<640x128xf32, #tpu.memory_space<vmem_shared>>
    %dma_start3A_8 = arith.constant 0 : i32
    %dma_start3A_9 = tpu.memref_slice %arg5[%mul3A_4, %dma_start3A_8] : memref<10240x128xf32, #tpu.memory_space<hbm>> -> memref<640x128xf32, #tpu.memory_space<hbm>>
    tpu.enqueue_dma source(%dma_start3A_9 : memref<640x128xf32, #tpu.memory_space<hbm>>) target(%dma_start3A_7 : memref<640x128xf32, #tpu.memory_space<vmem_shared>>) target_semaphore(%arg15 : memref<!tpu.dma_semaphore, #tpu.memory_space<semaphore_mem>>)
    "tpu.region"() ({
      %run_scoped3A = tpu.sem_alloc : memref<!tpu.dma_semaphore, #tpu.memory_space<semaphore_mem>>
      %dma_start3A_71 = tpu.memref_slice %arg3[%mul3A_2] : memref<320000xi32, #tpu.memory_space<hbm>> -> memref<10000xi32, #tpu.memory_space<hbm>>
      %dma_start3A_72 = tpu.memref_slice %arg3[%mul3A_2] : memref<320000xi32, #tpu.memory_space<hbm>> -> memref<10000xi32, #tpu.memory_space<hbm>>
      tpu.enqueue_dma source(%dma_start3A_72 : memref<10000xi32, #tpu.memory_space<hbm>>) target(%arg7 : memref<10000xi32, #tpu.memory_space<vmem>>) target_semaphore(%run_scoped3A : memref<!tpu.dma_semaphore, #tpu.memory_space<semaphore_mem>>)
      %dma_wait3A_73 = tpu.memref_slice %arg3[%mul3A_2] : memref<320000xi32, #tpu.memory_space<hbm>> -> memref<10000xi32, #tpu.memory_space<hbm>>
      %dma_wait3A_74 = tpu.memref_slice %arg3[%mul3A_2] : memref<320000xi32, #tpu.memory_space<hbm>> -> memref<10000xi32, #tpu.memory_space<hbm>>
      tpu.wait_dma2 semaphore(%run_scoped3A : memref<!tpu.dma_semaphore, #tpu.memory_space<semaphore_mem>>) src(%dma_wait3A_74 : memref<10000xi32, #tpu.memory_space<hbm>>) dst(%arg7 : memref<10000xi32, #tpu.memory_space<vmem>>)
      tpu.yield
    }) : () -> ()
    %scan3A = arith.constant 0 : i32
    %scan3A_10 = arith.constant 0 : i32
    %scan3A_11 = arith.constant 125 : i32
    %scan3A_12 = arith.addi %scan3A_10, %scan3A_11 : i32
    %scan3A_13 = arith.constant 1 : i32
    scf.for %scan3A_71 = %scan3A_10 to %scan3A_12 step %scan3A_13  : i32 {
      %mul3A_72 = arith.constant 80 : i32
      %mul3A_73 = arith.muli %scan3A_71, %mul3A_72 : i32
      %add3A_74 = arith.addi %mul3A_2, %mul3A_73 : i32
      %dma_start3A_75 = arith.constant 0 : i32
      %dma_start3A_76 = tpu.memref_slice %arg8[%scan3A_71, %dma_start3A_75] : memref<125x80xi32, #tpu.memory_space<vmem>> -> memref<1x80xi32, #tpu.memory_space<vmem>>
      %dma_start3A_77 = tpu.memref_squeeze %dma_start3A_76 : memref<1x80xi32, #tpu.memory_space<vmem>> -> memref<80xi32, #tpu.memory_space<vmem>>
      %dma_start3A_78 = tpu.memref_slice %arg4[%add3A_74] : memref<320000xi32, #tpu.memory_space<hbm>> -> memref<80xi32, #tpu.memory_space<hbm>>
      %dma_start3A_79 = arith.constant 0 : i32
      %dma_start3A_80 = tpu.memref_slice %arg8[%scan3A_71, %dma_start3A_79] : memref<125x80xi32, #tpu.memory_space<vmem>> -> memref<1x80xi32, #tpu.memory_space<vmem>>
      %dma_start3A_81 = tpu.memref_squeeze %dma_start3A_80 : memref<1x80xi32, #tpu.memory_space<vmem>> -> memref<80xi32, #tpu.memory_space<vmem>>
      %dma_start3A_82 = tpu.memref_slice %arg4[%add3A_74] : memref<320000xi32, #tpu.memory_space<hbm>> -> memref<80xi32, #tpu.memory_space<hbm>>
      tpu.enqueue_dma source(%dma_start3A_82 : memref<80xi32, #tpu.memory_space<hbm>>) target(%dma_start3A_81 : memref<80xi32, #tpu.memory_space<vmem>>) target_semaphore(%arg11 : memref<!tpu.dma_semaphore, #tpu.memory_space<semaphore_mem>>)
    }
    %scan3A_14 = arith.constant 125 : i32
    %scan3A_15 = arith.constant 0 : i32
    %scan3A_16 = arith.constant 0 : i32
    %scan3A_17 = arith.constant 125 : i32
    %scan3A_18 = arith.addi %scan3A_16, %scan3A_17 : i32
    %scan3A_19 = arith.constant 1 : i32
    scf.for %scan3A_71 = %scan3A_16 to %scan3A_18 step %scan3A_19  : i32 {
      %dma_wait3A_72 = arith.constant 0 : i32
      %dma_wait3A_73 = arith.constant 0 : i32
      %dma_wait3A_74 = tpu.memref_slice %arg8[%dma_wait3A_72, %dma_wait3A_73] : memref<125x80xi32, #tpu.memory_space<vmem>> -> memref<1x80xi32, #tpu.memory_space<vmem>>
      %dma_wait3A_75 = tpu.memref_squeeze %dma_wait3A_74 : memref<1x80xi32, #tpu.memory_space<vmem>> -> memref<80xi32, #tpu.memory_space<vmem>>
      %dma_wait3A_76 = tpu.memref_slice %arg4[%mul3A_2] : memref<320000xi32, #tpu.memory_space<hbm>> -> memref<80xi32, #tpu.memory_space<hbm>>
      %dma_wait3A_77 = arith.constant 0 : i32
      %dma_wait3A_78 = tpu.memref_slice %arg8[%dma_wait3A_72, %dma_wait3A_77] : memref<125x80xi32, #tpu.memory_space<vmem>> -> memref<1x80xi32, #tpu.memory_space<vmem>>
      %dma_wait3A_79 = tpu.memref_squeeze %dma_wait3A_78 : memref<1x80xi32, #tpu.memory_space<vmem>> -> memref<80xi32, #tpu.memory_space<vmem>>
      %dma_wait3A_80 = tpu.memref_slice %arg4[%mul3A_2] : memref<320000xi32, #tpu.memory_space<hbm>> -> memref<80xi32, #tpu.memory_space<hbm>>
      tpu.wait_dma2 semaphore(%arg11 : memref<!tpu.dma_semaphore, #tpu.memory_space<semaphore_mem>>) src(%dma_wait3A_80 : memref<80xi32, #tpu.memory_space<hbm>>) dst(%dma_wait3A_79 : memref<80xi32, #tpu.memory_space<vmem>>)
    }
    %scan3A_20 = arith.constant 125 : i32
    %scan3A_21 = arith.constant 0 : i32
    %scan3A_22 = arith.constant 0 : i32
    %scan3A_23 = arith.constant 125 : i32
    %scan3A_24 = arith.addi %scan3A_22, %scan3A_23 : i32
    %scan3A_25 = arith.constant 1 : i32
    scf.for %scan3A_71 = %scan3A_22 to %scan3A_24 step %scan3A_25  : i32 {
      %mul3A_72 = arith.constant 80 : i32
      %mul3A_73 = arith.muli %scan3A_71, %mul3A_72 : i32
      %add3A_74 = arith.addi %mul3A_2, %mul3A_73 : i32
      %jit3A = arith.constant 40000 : i32
      %div3A = arith.divsi %add3A_74, %jit3A : i32
      %sign3A = arith.constant 0 : i32
      %sign3A_75 = arith.cmpi sgt, %add3A_74, %sign3A : i32
      %sign3A_76 = arith.extui %sign3A_75 : i1 to i32
      %sign3A_77 = arith.constant 0 : i32
      %sign3A_78 = arith.cmpi slt, %add3A_74, %sign3A_77 : i32
      %sign3A_79 = arith.extui %sign3A_78 : i1 to i32
      %sign3A_80 = arith.subi %sign3A_76, %sign3A_79 : i32
      %sign3A_81 = arith.constant 0 : i32
      %sign3A_82 = arith.cmpi sgt, %jit3A, %sign3A_81 : i32
      %sign3A_83 = arith.extui %sign3A_82 : i1 to i32
      %sign3A_84 = arith.constant 0 : i32
      %sign3A_85 = arith.cmpi slt, %jit3A, %sign3A_84 : i32
      %sign3A_86 = arith.extui %sign3A_85 : i1 to i32
      %sign3A_87 = arith.subi %sign3A_83, %sign3A_86 : i32
      %ne3A = arith.cmpi ne, %sign3A_80, %sign3A_87 : i32
      %rem3A = arith.remsi %add3A_74, %jit3A : i32
      %ne3A_88 = arith.constant 0 : i32
      %ne3A_89 = arith.cmpi ne, %rem3A, %ne3A_88 : i32
      %and3A = arith.andi %ne3A, %ne3A_89 : i1
      %sub3A = arith.constant 1 : i32
      %sub3A_90 = arith.subi %div3A, %sub3A : i32
      %select_n3A = arith.select %and3A, %sub3A_90, %div3A : i32
      %mul3A_91 = arith.constant 1250 : i32
      %mul3A_92 = arith.muli %select_n3A, %mul3A_91 : i32
      %mul3A_93 = arith.constant 80 : i32
      %mul3A_94 = arith.muli %scan3A_71, %mul3A_93 : i32
      %add3A_95 = arith.constant 0 : i32
      %add3A_96 = arith.addi %mul3A_94, %add3A_95 : i32
      %get3A = arith.index_cast %add3A_96 : i32 to index
      %get3A_97 = tpu.vector_load %arg7[%get3A] {strides = array<i32>} : memref<10000xi32, #tpu.memory_space<vmem>>, vector<16xi32>,
      %get3A_98 = vector.shape_cast %get3A_97 : vector<16xi32> to vector<16xi32>
      %get3A_99 = arith.index_cast %scan3A_71 : i32 to index
      %get3A_100 = arith.constant 0 : index
      %get3A_101 = tpu.vector_load %arg8[%get3A_99, %get3A_100] {strides = array<i32>} : memref<125x80xi32, #tpu.memory_space<vmem>>, vector<1x16xi32>,
      %get3A_102 = vector.shape_cast %get3A_101 : vector<1x16xi32> to vector<16xi32>
      %ge3A = vector.broadcast %mul3A_92 : i32 to vector<16xi32>
      %ge3A_103 = arith.cmpi sge, %get3A_98, %ge3A : vector<16xi32>
      %ge3A_104 = vector.broadcast %mul3A_92 : i32 to vector<16xi32>
      %ge3A_105 = arith.cmpi sge, %get3A_102, %ge3A_104 : vector<16xi32>
      %and3A_106 = arith.andi %ge3A_103, %ge3A_105 : vector<16xi1>
      %jit3A_107 = arith.constant 10000 : i32
      %broadcast_in_dim3A = vector.broadcast %jit3A_107 : i32 to vector<16xi32>
      %select_n3A_108 = arith.select %and3A_106, %get3A_102, %broadcast_in_dim3A : vector<16xi1>, vector<16xi32>
      %swap3A = arith.index_cast %scan3A_71 : i32 to index
      %swap3A_109 = arith.constant 0 : index
      %swap3A_110 = tpu.vector_load %arg8[%swap3A, %swap3A_109] {strides = array<i32>} : memref<125x80xi32, #tpu.memory_space<vmem>>, vector<1x16xi32>,
      %swap3A_111 = vector.shape_cast %swap3A_110 : vector<1x16xi32> to vector<16xi32>
      %swap3A_112 = vector.shape_cast %select_n3A_108 : vector<16xi32> to vector<1x16xi32>
      tpu.vector_store %arg8[%swap3A, %swap3A_109], %swap3A_112 {strides = array<i32>} : memref<125x80xi32, #tpu.memory_space<vmem>>, vector<1x16xi32>,
      %mul3A_113 = arith.constant 80 : i32
      %mul3A_114 = arith.muli %scan3A_71, %mul3A_113 : i32
      %add3A_115 = arith.constant 16 : i32
      %add3A_116 = arith.addi %mul3A_114, %add3A_115 : i32
      %get3A_117 = arith.index_cast %add3A_116 : i32 to index
      %get3A_118 = tpu.vector_load %arg7[%get3A_117] {strides = array<i32>} : memref<10000xi32, #tpu.memory_space<vmem>>, vector<16xi32>,
      %get3A_119 = vector.shape_cast %get3A_118 : vector<16xi32> to vector<16xi32>
      %get3A_120 = arith.index_cast %scan3A_71 : i32 to index
      %get3A_121 = arith.constant 16 : index
      %get3A_122 = tpu.vector_load %arg8[%get3A_120, %get3A_121] {strides = array<i32>} : memref<125x80xi32, #tpu.memory_space<vmem>>, vector<1x16xi32>,
      %get3A_123 = vector.shape_cast %get3A_122 : vector<1x16xi32> to vector<16xi32>
      %ge3A_124 = vector.broadcast %mul3A_92 : i32 to vector<16xi32>
      %ge3A_125 = arith.cmpi sge, %get3A_119, %ge3A_124 : vector<16xi32>
      %ge3A_126 = vector.broadcast %mul3A_92 : i32 to vector<16xi32>
      %ge3A_127 = arith.cmpi sge, %get3A_123, %ge3A_126 : vector<16xi32>
      %and3A_128 = arith.andi %ge3A_125, %ge3A_127 : vector<16xi1>
      %jit3A_129 = arith.constant 10000 : i32
      %broadcast_in_dim3A_130 = vector.broadcast %jit3A_129 : i32 to vector<16xi32>
      %select_n3A_131 = arith.select %and3A_128, %get3A_123, %broadcast_in_dim3A_130 : vector<16xi1>, vector<16xi32>
      %swap3A_132 = arith.index_cast %scan3A_71 : i32 to index
      %swap3A_133 = arith.constant 16 : index
      %swap3A_134 = tpu.vector_load %arg8[%swap3A_132, %swap3A_133] {strides = array<i32>} : memref<125x80xi32, #tpu.memory_space<vmem>>, vector<1x16xi32>,
      %swap3A_135 = vector.shape_cast %swap3A_134 : vector<1x16xi32> to vector<16xi32>
      %swap3A_136 = vector.shape_cast %select_n3A_131 : vector<16xi32> to vector<1x16xi32>
      tpu.vector_store %arg8[%swap3A_132, %swap3A_133], %swap3A_136 {strides = array<i32>} : memref<125x80xi32, #tpu.memory_space<vmem>>, vector<1x16xi32>,
      %mul3A_137 = arith.constant 80 : i32
      %mul3A_138 = arith.muli %scan3A_71, %mul3A_137 : i32
      %add3A_139 = arith.constant 32 : i32
      %add3A_140 = arith.addi %mul3A_138, %add3A_139 : i32
      %get3A_141 = arith.index_cast %add3A_140 : i32 to index
      %get3A_142 = tpu.vector_load %arg7[%get3A_141] {strides = array<i32>} : memref<10000xi32, #tpu.memory_space<vmem>>, vector<16xi32>,
      %get3A_143 = vector.shape_cast %get3A_142 : vector<16xi32> to vector<16xi32>
      %get3A_144 = arith.index_cast %scan3A_71 : i32 to index
      %get3A_145 = arith.constant 32 : index
      %get3A_146 = tpu.vector_load %arg8[%get3A_144, %get3A_145] {strides = array<i32>} : memref<125x80xi32, #tpu.memory_space<vmem>>, vector<1x16xi32>,
      %get3A_147 = vector.shape_cast %get3A_146 : vector<1x16xi32> to vector<16xi32>
      %ge3A_148 = vector.broadcast %mul3A_92 : i32 to vector<16xi32>
      %ge3A_149 = arith.cmpi sge, %get3A_143, %ge3A_148 : vector<16xi32>
      %ge3A_150 = vector.broadcast %mul3A_92 : i32 to vector<16xi32>
      %ge3A_151 = arith.cmpi sge, %get3A_147, %ge3A_150 : vector<16xi32>
      %and3A_152 = arith.andi %ge3A_149, %ge3A_151 : vector<16xi1>
      %jit3A_153 = arith.constant 10000 : i32
      %broadcast_in_dim3A_154 = vector.broadcast %jit3A_153 : i32 to vector<16xi32>
      %select_n3A_155 = arith.select %and3A_152, %get3A_147, %broadcast_in_dim3A_154 : vector<16xi1>, vector<16xi32>
      %swap3A_156 = arith.index_cast %scan3A_71 : i32 to index
      %swap3A_157 = arith.constant 32 : index
      %swap3A_158 = tpu.vector_load %arg8[%swap3A_156, %swap3A_157] {strides = array<i32>} : memref<125x80xi32, #tpu.memory_space<vmem>>, vector<1x16xi32>,
      %swap3A_159 = vector.shape_cast %swap3A_158 : vector<1x16xi32> to vector<16xi32>
      %swap3A_160 = vector.shape_cast %select_n3A_155 : vector<16xi32> to vector<1x16xi32>
      tpu.vector_store %arg8[%swap3A_156, %swap3A_157], %swap3A_160 {strides = array<i32>} : memref<125x80xi32, #tpu.memory_space<vmem>>, vector<1x16xi32>,
      %mul3A_161 = arith.constant 80 : i32
      %mul3A_162 = arith.muli %scan3A_71, %mul3A_161 : i32
      %add3A_163 = arith.constant 48 : i32
      %add3A_164 = arith.addi %mul3A_162, %add3A_163 : i32
      %get3A_165 = arith.index_cast %add3A_164 : i32 to index
      %get3A_166 = tpu.vector_load %arg7[%get3A_165] {strides = array<i32>} : memref<10000xi32, #tpu.memory_space<vmem>>, vector<16xi32>,
      %get3A_167 = vector.shape_cast %get3A_166 : vector<16xi32> to vector<16xi32>
      %get3A_168 = arith.index_cast %scan3A_71 : i32 to index
      %get3A_169 = arith.constant 48 : index
      %get3A_170 = tpu.vector_load %arg8[%get3A_168, %get3A_169] {strides = array<i32>} : memref<125x80xi32, #tpu.memory_space<vmem>>, vector<1x16xi32>,
      %get3A_171 = vector.shape_cast %get3A_170 : vector<1x16xi32> to vector<16xi32>
      %ge3A_172 = vector.broadcast %mul3A_92 : i32 to vector<16xi32>
      %ge3A_173 = arith.cmpi sge, %get3A_167, %ge3A_172 : vector<16xi32>
      %ge3A_174 = vector.broadcast %mul3A_92 : i32 to vector<16xi32>
      %ge3A_175 = arith.cmpi sge, %get3A_171, %ge3A_174 : vector<16xi32>
      %and3A_176 = arith.andi %ge3A_173, %ge3A_175 : vector<16xi1>
      %jit3A_177 = arith.constant 10000 : i32
      %broadcast_in_dim3A_178 = vector.broadcast %jit3A_177 : i32 to vector<16xi32>
      %select_n3A_179 = arith.select %and3A_176, %get3A_171, %broadcast_in_dim3A_178 : vector<16xi1>, vector<16xi32>
      %swap3A_180 = arith.index_cast %scan3A_71 : i32 to index
      %swap3A_181 = arith.constant 48 : index
      %swap3A_182 = tpu.vector_load %arg8[%swap3A_180, %swap3A_181] {strides = array<i32>} : memref<125x80xi32, #tpu.memory_space<vmem>>, vector<1x16xi32>,
      %swap3A_183 = vector.shape_cast %swap3A_182 : vector<1x16xi32> to vector<16xi32>
      %swap3A_184 = vector.shape_cast %select_n3A_179 : vector<16xi32> to vector<1x16xi32>
      tpu.vector_store %arg8[%swap3A_180, %swap3A_181], %swap3A_184 {strides = array<i32>} : memref<125x80xi32, #tpu.memory_space<vmem>>, vector<1x16xi32>,
      %mul3A_185 = arith.constant 80 : i32
      %mul3A_186 = arith.muli %scan3A_71, %mul3A_185 : i32
      %add3A_187 = arith.constant 64 : i32
      %add3A_188 = arith.addi %mul3A_186, %add3A_187 : i32
      %get3A_189 = arith.index_cast %add3A_188 : i32 to index
      %get3A_190 = tpu.vector_load %arg7[%get3A_189] {strides = array<i32>} : memref<10000xi32, #tpu.memory_space<vmem>>, vector<16xi32>,
      %get3A_191 = vector.shape_cast %get3A_190 : vector<16xi32> to vector<16xi32>
      %get3A_192 = arith.index_cast %scan3A_71 : i32 to index
      %get3A_193 = arith.constant 64 : index
      %get3A_194 = tpu.vector_load %arg8[%get3A_192, %get3A_193] {strides = array<i32>} : memref<125x80xi32, #tpu.memory_space<vmem>>, vector<1x16xi32>,
      %get3A_195 = vector.shape_cast %get3A_194 : vector<1x16xi32> to vector<16xi32>
      %ge3A_196 = vector.broadcast %mul3A_92 : i32 to vector<16xi32>
      %ge3A_197 = arith.cmpi sge, %get3A_191, %ge3A_196 : vector<16xi32>
      %ge3A_198 = vector.broadcast %mul3A_92 : i32 to vector<16xi32>
      %ge3A_199 = arith.cmpi sge, %get3A_195, %ge3A_198 : vector<16xi32>
      %and3A_200 = arith.andi %ge3A_197, %ge3A_199 : vector<16xi1>
      %jit3A_201 = arith.constant 10000 : i32
      %broadcast_in_dim3A_202 = vector.broadcast %jit3A_201 : i32 to vector<16xi32>
      %select_n3A_203 = arith.select %and3A_200, %get3A_195, %broadcast_in_dim3A_202 : vector<16xi1>, vector<16xi32>
      %swap3A_204 = arith.index_cast %scan3A_71 : i32 to index
      %swap3A_205 = arith.constant 64 : index
      %swap3A_206 = tpu.vector_load %arg8[%swap3A_204, %swap3A_205] {strides = array<i32>} : memref<125x80xi32, #tpu.memory_space<vmem>>, vector<1x16xi32>,
      %swap3A_207 = vector.shape_cast %swap3A_206 : vector<1x16xi32> to vector<16xi32>
      %swap3A_208 = vector.shape_cast %select_n3A_203 : vector<16xi32> to vector<1x16xi32>
      tpu.vector_store %arg8[%swap3A_204, %swap3A_205], %swap3A_208 {strides = array<i32>} : memref<125x80xi32, #tpu.memory_space<vmem>>, vector<1x16xi32>,
    }
    %scan3A_26 = arith.constant 125 : i32
    %dma_wait3A = arith.constant 0 : i32
    %dma_wait3A_27 = tpu.memref_slice %arg10[%mul3A_6, %dma_wait3A] : memref<10240x128xf32, #tpu.memory_space<vmem_shared>> -> memref<640x128xf32, #tpu.memory_space<vmem_shared>>
    %dma_wait3A_28 = arith.constant 0 : i32
    %dma_wait3A_29 = tpu.memref_slice %arg5[%mul3A_4, %dma_wait3A_28] : memref<10240x128xf32, #tpu.memory_space<hbm>> -> memref<640x128xf32, #tpu.memory_space<hbm>>
    tpu.wait_dma2 semaphore(%arg15 : memref<!tpu.dma_semaphore, #tpu.memory_space<semaphore_mem>>) src(%dma_wait3A_29 : memref<640x128xf32, #tpu.memory_space<hbm>>) dst(%dma_wait3A_27 : memref<640x128xf32, #tpu.memory_space<vmem_shared>>)
    %barrier3A = arith.constant 0 : index
    tpu.barrier barrier_id(%barrier3A)
    %dma_start3A_30 = arith.constant 0 : i32
    %dma_start3A_31 = arith.constant 0 : i32
    %dma_start3A_32 = arith.constant 0 : i32
    %dma_start3A_33 = tpu.memref_slice %arg9[%dma_start3A_30, %dma_start3A_31, %dma_start3A_32] : memref<2x80x128xf32, #tpu.memory_space<vmem>> -> memref<1x80x128xf32, #tpu.memory_space<vmem>>
    %dma_start3A_34 = tpu.memref_squeeze %dma_start3A_33 : memref<1x80x128xf32, #tpu.memory_space<vmem>> -> memref<80x128xf32, #tpu.memory_space<vmem>>
    %dma_start3A_35 = arith.constant 0 : i32
    %dma_start3A_36 = tpu.memref_slice %arg7[%dma_start3A_35] : memref<10000xi32, #tpu.memory_space<vmem>> -> memref<80xi32, #tpu.memory_space<vmem>>
    %dma_start3A_37 = arith.constant 0 : i32
    %dma_start3A_38 = arith.constant 0 : i32
    %dma_start3A_39 = tpu.memref_slice %arg2[%dma_start3A_37, %dma_start3A_38] : memref<10000x128xf32, #tpu.memory_space<hbm>> -> memref<10000x128xf32, #tpu.memory_space<hbm>>
    tpu.enqueue_indirect_dma source(%dma_start3A_39 : memref<10000x128xf32, #tpu.memory_space<hbm>>) target(%dma_start3A_34 : memref<80x128xf32, #tpu.memory_space<vmem>>) offsets(%dma_start3A_36 : memref<80xi32, #tpu.memory_space<vmem>>) semaphore(%arg11 : memref<!tpu.dma_semaphore, #tpu.memory_space<semaphore_mem>>)
    %dma_start3A_40 = arith.constant 1 : i32
    %dma_start3A_41 = arith.constant 0 : i32
    %dma_start3A_42 = arith.constant 0 : i32
    %dma_start3A_43 = tpu.memref_slice %arg9[%dma_start3A_40, %dma_start3A_41, %dma_start3A_42] : memref<2x80x128xf32, #tpu.memory_space<vmem>> -> memref<1x80x128xf32, #tpu.memory_space<vmem>>
    %dma_start3A_44 = tpu.memref_squeeze %dma_start3A_43 : memref<1x80x128xf32, #tpu.memory_space<vmem>> -> memref<80x128xf32, #tpu.memory_space<vmem>>
    %dma_start3A_45 = arith.constant 80 : i32
    %dma_start3A_46 = tpu.memref_slice %arg7[%dma_start3A_45] : memref<10000xi32, #tpu.memory_space<vmem>> -> memref<80xi32, #tpu.memory_space<vmem>>
    %dma_start3A_47 = arith.constant 0 : i32
    %dma_start3A_48 = arith.constant 0 : i32
    %dma_start3A_49 = tpu.memref_slice %arg2[%dma_start3A_47, %dma_start3A_48] : memref<10000x128xf32, #tpu.memory_space<hbm>> -> memref<10000x128xf32, #tpu.memory_space<hbm>>
    tpu.enqueue_indirect_dma source(%dma_start3A_49 : memref<10000x128xf32, #tpu.memory_space<hbm>>) target(%dma_start3A_44 : memref<80x128xf32, #tpu.memory_space<vmem>>) offsets(%dma_start3A_46 : memref<80xi32, #tpu.memory_space<vmem>>) semaphore(%arg12 : memref<!tpu.dma_semaphore, #tpu.memory_space<semaphore_mem>>)
    %scan3A_50 = arith.constant 0 : i32
    %scan3A_51 = arith.constant 0 : i32
    %scan3A_52 = arith.constant 62 : i32
    %scan3A_53 = arith.addi %scan3A_51, %scan3A_52 : i32
    %scan3A_54 = arith.constant 1 : i32
    scf.for %scan3A_71 = %scan3A_51 to %scan3A_53 step %scan3A_54  : i32 {
      %mul3A_72 = arith.constant 2 : i32
      %mul3A_73 = arith.muli %mul3A_72, %scan3A_71 : i32
      %dma_wait3A_74 = arith.constant 0 : i32
      %dma_wait3A_75 = arith.constant 0 : i32
      %dma_wait3A_76 = arith.constant 0 : i32
      %dma_wait3A_77 = tpu.memref_slice %arg9[%dma_wait3A_74, %dma_wait3A_75, %dma_wait3A_76] : memref<2x80x128xf32, #tpu.memory_space<vmem>> -> memref<1x80x128xf32, #tpu.memory_space<vmem>>
      %dma_wait3A_78 = tpu.memref_squeeze %dma_wait3A_77 : memref<1x80x128xf32, #tpu.memory_space<vmem>> -> memref<80x128xf32, #tpu.memory_space<vmem>>
      %dma_wait3A_79 = arith.constant 0 : i32
      %dma_wait3A_80 = tpu.memref_slice %arg7[%dma_wait3A_79] : memref<10000xi32, #tpu.memory_space<vmem>> -> memref<80xi32, #tpu.memory_space<vmem>>
      %dma_wait3A_81 = arith.constant 0 : i32
      %dma_wait3A_82 = arith.constant 0 : i32
      %dma_wait3A_83 = tpu.memref_slice %arg2[%dma_wait3A_81, %dma_wait3A_82] : memref<10000x128xf32, #tpu.memory_space<hbm>> -> memref<10000x128xf32, #tpu.memory_space<hbm>>
      tpu.wait_indirect_dma semaphore(%arg11 : memref<!tpu.dma_semaphore, #tpu.memory_space<semaphore_mem>>) src(%dma_wait3A_83 : memref<10000x128xf32, #tpu.memory_space<hbm>>) dst(%dma_wait3A_78 : memref<80x128xf32, #tpu.memory_space<vmem>>)
      %add3A_84 = arith.constant 2 : i32
      %add3A_85 = arith.addi %mul3A_73, %add3A_84 : i32
      %lt3A = arith.constant 125 : i32
      %lt3A_86 = arith.cmpi slt, %add3A_85, %lt3A : i32
      %convert_element_type3A = arith.extui %lt3A_86 : i1 to i32
      %cond3A = arith.constant 0 : i32
      %cond3A_87 = arith.cmpi ne, %convert_element_type3A, %cond3A : i32
      scf.if %cond3A_87 {
        %add3A_107 = arith.constant 2 : i32
        %add3A_108 = arith.addi %mul3A_73, %add3A_107 : i32
        %mul3A_109 = arith.constant 80 : i32
        %mul3A_110 = arith.muli %add3A_108, %mul3A_109 : i32
        %dma_start3A_111 = arith.constant 0 : i32
        %dma_start3A_112 = arith.constant 0 : i32
        %dma_start3A_113 = arith.constant 0 : i32
        %dma_start3A_114 = tpu.memref_slice %arg9[%dma_start3A_111, %dma_start3A_112, %dma_start3A_113] : memref<2x80x128xf32, #tpu.memory_space<vmem>> -> memref<1x80x128xf32, #tpu.memory_space<vmem>>
        %dma_start3A_115 = tpu.memref_squeeze %dma_start3A_114 : memref<1x80x128xf32, #tpu.memory_space<vmem>> -> memref<80x128xf32, #tpu.memory_space<vmem>>
        %dma_start3A_116 = tpu.memref_slice %arg7[%mul3A_110] : memref<10000xi32, #tpu.memory_space<vmem>> -> memref<80xi32, #tpu.memory_space<vmem>>
        %dma_start3A_117 = arith.constant 0 : i32
        %dma_start3A_118 = arith.constant 0 : i32
        %dma_start3A_119 = tpu.memref_slice %arg2[%dma_start3A_117, %dma_start3A_118] : memref<10000x128xf32, #tpu.memory_space<hbm>> -> memref<10000x128xf32, #tpu.memory_space<hbm>>
        tpu.enqueue_indirect_dma source(%dma_start3A_119 : memref<10000x128xf32, #tpu.memory_space<hbm>>) target(%dma_start3A_115 : memref<80x128xf32, #tpu.memory_space<vmem>>) offsets(%dma_start3A_116 : memref<80xi32, #tpu.memory_space<vmem>>) semaphore(%arg11 : memref<!tpu.dma_semaphore, #tpu.memory_space<semaphore_mem>>)
      } else {
      }
      %dma_wait3A_88 = arith.constant 1 : i32
      %dma_wait3A_89 = arith.constant 0 : i32
      %dma_wait3A_90 = arith.constant 0 : i32
      %dma_wait3A_91 = tpu.memref_slice %arg9[%dma_wait3A_88, %dma_wait3A_89, %dma_wait3A_90] : memref<2x80x128xf32, #tpu.memory_space<vmem>> -> memref<1x80x128xf32, #tpu.memory_space<vmem>>
      %dma_wait3A_92 = tpu.memref_squeeze %dma_wait3A_91 : memref<1x80x128xf32, #tpu.memory_space<vmem>> -> memref<80x128xf32, #tpu.memory_space<vmem>>
      %dma_wait3A_93 = arith.constant 0 : i32
      %dma_wait3A_94 = tpu.memref_slice %arg7[%dma_wait3A_93] : memref<10000xi32, #tpu.memory_space<vmem>> -> memref<80xi32, #tpu.memory_space<vmem>>
      %dma_wait3A_95 = arith.constant 0 : i32
      %dma_wait3A_96 = arith.constant 0 : i32
      %dma_wait3A_97 = tpu.memref_slice %arg2[%dma_wait3A_95, %dma_wait3A_96] : memref<10000x128xf32, #tpu.memory_space<hbm>> -> memref<10000x128xf32, #tpu.memory_space<hbm>>
      tpu.wait_indirect_dma semaphore(%arg12 : memref<!tpu.dma_semaphore, #tpu.memory_space<semaphore_mem>>) src(%dma_wait3A_97 : memref<10000x128xf32, #tpu.memory_space<hbm>>) dst(%dma_wait3A_92 : memref<80x128xf32, #tpu.memory_space<vmem>>)
      %add3A_98 = arith.constant 1 : i32
      %add3A_99 = arith.addi %mul3A_73, %add3A_98 : i32
      %add3A_100 = arith.constant 3 : i32
      %add3A_101 = arith.addi %mul3A_73, %add3A_100 : i32
      %lt3A_102 = arith.constant 125 : i32
      %lt3A_103 = arith.cmpi slt, %add3A_101, %lt3A_102 : i32
      %convert_element_type3A_104 = arith.extui %lt3A_103 : i1 to i32
      %cond3A_105 = arith.constant 0 : i32
      %cond3A_106 = arith.cmpi ne, %convert_element_type3A_104, %cond3A_105 : i32
      scf.if %cond3A_106 {
        %add3A_107 = arith.constant 3 : i32
        %add3A_108 = arith.addi %mul3A_73, %add3A_107 : i32
        %mul3A_109 = arith.constant 80 : i32
        %mul3A_110 = arith.muli %add3A_108, %mul3A_109 : i32
        %dma_start3A_111 = arith.constant 1 : i32
        %dma_start3A_112 = arith.constant 0 : i32
        %dma_start3A_113 = arith.constant 0 : i32
        %dma_start3A_114 = tpu.memref_slice %arg9[%dma_start3A_111, %dma_start3A_112, %dma_start3A_113] : memref<2x80x128xf32, #tpu.memory_space<vmem>> -> memref<1x80x128xf32, #tpu.memory_space<vmem>>
        %dma_start3A_115 = tpu.memref_squeeze %dma_start3A_114 : memref<1x80x128xf32, #tpu.memory_space<vmem>> -> memref<80x128xf32, #tpu.memory_space<vmem>>
        %dma_start3A_116 = tpu.memref_slice %arg7[%mul3A_110] : memref<10000xi32, #tpu.memory_space<vmem>> -> memref<80xi32, #tpu.memory_space<vmem>>
        %dma_start3A_117 = arith.constant 0 : i32
        %dma_start3A_118 = arith.constant 0 : i32
        %dma_start3A_119 = tpu.memref_slice %arg2[%dma_start3A_117, %dma_start3A_118] : memref<10000x128xf32, #tpu.memory_space<hbm>> -> memref<10000x128xf32, #tpu.memory_space<hbm>>
        tpu.enqueue_indirect_dma source(%dma_start3A_119 : memref<10000x128xf32, #tpu.memory_space<hbm>>) target(%dma_start3A_115 : memref<80x128xf32, #tpu.memory_space<vmem>>) offsets(%dma_start3A_116 : memref<80xi32, #tpu.memory_space<vmem>>) semaphore(%arg12 : memref<!tpu.dma_semaphore, #tpu.memory_space<semaphore_mem>>)
      } else {
      }
    }
    %scan3A_55 = arith.constant 62 : i32
    %dma_wait3A_56 = arith.constant 0 : i32
    %dma_wait3A_57 = arith.constant 0 : i32
    %dma_wait3A_58 = arith.constant 0 : i32
    %dma_wait3A_59 = tpu.memref_slice %arg9[%dma_wait3A_56, %dma_wait3A_57, %dma_wait3A_58] : memref<2x80x128xf32, #tpu.memory_space<vmem>> -> memref<1x80x128xf32, #tpu.memory_space<vmem>>
    %dma_wait3A_60 = tpu.memref_squeeze %dma_wait3A_59 : memref<1x80x128xf32, #tpu.memory_space<vmem>> -> memref<80x128xf32, #tpu.memory_space<vmem>>
    %dma_wait3A_61 = arith.constant 0 : i32
    %dma_wait3A_62 = tpu.memref_slice %arg7[%dma_wait3A_61] : memref<10000xi32, #tpu.memory_space<vmem>> -> memref<80xi32, #tpu.memory_space<vmem>>
    %dma_wait3A_63 = arith.constant 0 : i32
    %dma_wait3A_64 = arith.constant 0 : i32
    %dma_wait3A_65 = tpu.memref_slice %arg2[%dma_wait3A_63, %dma_wait3A_64] : memref<10000x128xf32, #tpu.memory_space<hbm>> -> memref<10000x128xf32, #tpu.memory_space<hbm>>
    tpu.wait_indirect_dma semaphore(%arg11 : memref<!tpu.dma_semaphore, #tpu.memory_space<semaphore_mem>>) src(%dma_wait3A_65 : memref<10000x128xf32, #tpu.memory_space<hbm>>) dst(%dma_wait3A_60 : memref<80x128xf32, #tpu.memory_space<vmem>>)
    %barrier3A_66 = arith.constant 0 : index
    tpu.barrier barrier_id(%barrier3A_66)
    %mul3A_67 = arith.constant 640 : i32
    %mul3A_68 = arith.muli %arg1, %mul3A_67 : i32
    %mul3A_69 = arith.constant 640 : i32
    %mul3A_70 = arith.muli %arg1, %mul3A_69 : i32
    "tpu.region"() ({
      %run_scoped3A = tpu.sem_alloc : memref<!tpu.dma_semaphore, #tpu.memory_space<semaphore_mem>>
      %dma_start3A_71 = arith.constant 0 : i32
      %dma_start3A_72 = tpu.memref_slice %arg6[%arg0, %mul3A_70, %dma_start3A_71] : memref<2x10240x128xf32, #tpu.memory_space<hbm>> -> memref<1x640x128xf32, #tpu.memory_space<hbm>>
      %dma_start3A_73 = tpu.memref_squeeze %dma_start3A_72 : memref<1x640x128xf32, #tpu.memory_space<hbm>> -> memref<640x128xf32, #tpu.memory_space<hbm>>
      %dma_start3A_74 = arith.constant 0 : i32
      %dma_start3A_75 = tpu.memref_slice %arg10[%mul3A_68, %dma_start3A_74] : memref<10240x128xf32, #tpu.memory_space<vmem_shared>> -> memref<640x128xf32, #tpu.memory_space<vmem_shared>>
      tpu.enqueue_dma source(%dma_start3A_75 : memref<640x128xf32, #tpu.memory_space<vmem_shared>>) target(%dma_start3A_73 : memref<640x128xf32, #tpu.memory_space<hbm>>) target_semaphore(%run_scoped3A : memref<!tpu.dma_semaphore, #tpu.memory_space<semaphore_mem>>)
      %dma_wait3A_76 = arith.constant 0 : i32
      %dma_wait3A_77 = tpu.memref_slice %arg6[%arg0, %mul3A_70, %dma_wait3A_76] : memref<2x10240x128xf32, #tpu.memory_space<hbm>> -> memref<1x640x128xf32, #tpu.memory_space<hbm>>
      %dma_wait3A_78 = tpu.memref_squeeze %dma_wait3A_77 : memref<1x640x128xf32, #tpu.memory_space<hbm>> -> memref<640x128xf32, #tpu.memory_space<hbm>>
      %dma_wait3A_79 = arith.constant 0 : i32
      %dma_wait3A_80 = tpu.memref_slice %arg10[%mul3A_68, %dma_wait3A_79] : memref<10240x128xf32, #tpu.memory_space<vmem_shared>> -> memref<640x128xf32, #tpu.memory_space<vmem_shared>>
      tpu.wait_dma2 semaphore(%run_scoped3A : memref<!tpu.dma_semaphore, #tpu.memory_space<semaphore_mem>>) src(%dma_wait3A_80 : memref<640x128xf32, #tpu.memory_space<vmem_shared>>) dst(%dma_wait3A_78 : memref<640x128xf32, #tpu.memory_space<hbm>>)
      tpu.yield
    }) : () -> ()
    return
  }
}

#map = affine_map<(d0, d1) -> (0, 0)>
#map1 = affine_map<(d0, d1) -> (0)>
#map2 = affine_map<(d0, d1) -> (0, 0, 0)>
module attributes {stable_mosaic.version = 14 : i64} {
  func.func @seg(%arg0: i32, %arg1: i32, %arg2: memref<10000x128xf32, #tpu.memory_space<hbm>>, %arg3: memref<320000xi32, #tpu.memory_space<hbm>>, %arg4: memref<320000xi32, #tpu.memory_space<hbm>>, %arg5: memref<10240x128xf32, #tpu.memory_space<hbm>>, %arg6: memref<2x10240x128xf32, #tpu.memory_space<hbm>>, %arg7: memref<10000xi32, #tpu.memory_space<vmem>>, %arg8: memref<125x80xi32, #tpu.memory_space<vmem>>, %arg9: memref<2x80x128xf32, #tpu.memory_space<vmem>>, %arg10: memref<10240x128xf32, #tpu.memory_space<vmem_shared>>, %arg11: memref<!tpu.dma_semaphore, #tpu.memory_space<semaphore_mem>>, %arg12: memref<!tpu.dma_semaphore, #tpu.memory_space<semaphore_mem>>, %arg13: memref<!tpu.dma_semaphore, #tpu.memory_space<semaphore_mem>>, %arg14: memref<!tpu.dma_semaphore, #tpu.memory_space<semaphore_mem>>, %arg15: memref<!tpu.dma_semaphore, #tpu.memory_space<semaphore_mem>>) attributes {dimension_semantics = [#tpu.dimension_semantics<core_parallel>, #tpu.dimension_semantics<subcore_parallel>], iteration_bounds = array<i64: 2, 16>, scalar_prefetch = 0 : i64, scratch_operands = 9 : i64, tpu.core_type = #tpu.core_type<sc_vector_subcore>, window_params = [{transform_indices = #map}, {transform_indices = #map1}, {transform_indices = #map1}, {transform_indices = #map}, {transform_indices = #map2}]} {
    %mul3A = arith.constant 16 : i32
    %mul3A_0 = arith.muli %arg0, %mul3A : i32
    %add3A = arith.addi %mul3A_0, %arg1 : i32
    %mul3A_1 = arith.constant 10000 : i32
    %mul3A_2 = arith.muli %add3A, %mul3A_1 : i32
    %mul3A_3 = arith.constant 640 : i32
    %mul3A_4 = arith.muli %arg1, %mul3A_3 : i32
    %mul3A_5 = arith.constant 640 : i32
    %mul3A_6 = arith.muli %arg1, %mul3A_5 : i32
    %dma_start3A = arith.constant 0 : i32
    %dma_start3A_7 = tpu.memref_slice %arg10[%mul3A_6, %dma_start3A] : memref<10240x128xf32, #tpu.memory_space<vmem_shared>> -> memref<640x128xf32, #tpu.memory_space<vmem_shared>>
    %dma_start3A_8 = arith.constant 0 : i32
    %dma_start3A_9 = tpu.memref_slice %arg5[%mul3A_4, %dma_start3A_8] : memref<10240x128xf32, #tpu.memory_space<hbm>> -> memref<640x128xf32, #tpu.memory_space<hbm>>
    tpu.enqueue_dma source(%dma_start3A_9 : memref<640x128xf32, #tpu.memory_space<hbm>>) target(%dma_start3A_7 : memref<640x128xf32, #tpu.memory_space<vmem_shared>>) target_semaphore(%arg15 : memref<!tpu.dma_semaphore, #tpu.memory_space<semaphore_mem>>)
    "tpu.region"() ({
      %run_scoped3A = tpu.sem_alloc : memref<!tpu.dma_semaphore, #tpu.memory_space<semaphore_mem>>
      %dma_start3A_71 = tpu.memref_slice %arg3[%mul3A_2] : memref<320000xi32, #tpu.memory_space<hbm>> -> memref<10000xi32, #tpu.memory_space<hbm>>
      %dma_start3A_72 = tpu.memref_slice %arg3[%mul3A_2] : memref<320000xi32, #tpu.memory_space<hbm>> -> memref<10000xi32, #tpu.memory_space<hbm>>
      tpu.enqueue_dma source(%dma_start3A_72 : memref<10000xi32, #tpu.memory_space<hbm>>) target(%arg7 : memref<10000xi32, #tpu.memory_space<vmem>>) target_semaphore(%run_scoped3A : memref<!tpu.dma_semaphore, #tpu.memory_space<semaphore_mem>>)
      %dma_wait3A_73 = tpu.memref_slice %arg3[%mul3A_2] : memref<320000xi32, #tpu.memory_space<hbm>> -> memref<10000xi32, #tpu.memory_space<hbm>>
      %dma_wait3A_74 = tpu.memref_slice %arg3[%mul3A_2] : memref<320000xi32, #tpu.memory_space<hbm>> -> memref<10000xi32, #tpu.memory_space<hbm>>
      tpu.wait_dma2 semaphore(%run_scoped3A : memref<!tpu.dma_semaphore, #tpu.memory_space<semaphore_mem>>) src(%dma_wait3A_74 : memref<10000xi32, #tpu.memory_space<hbm>>) dst(%arg7 : memref<10000xi32, #tpu.memory_space<vmem>>)
      tpu.yield
    }) : () -> ()
    %scan3A = arith.constant 0 : i32
    %scan3A_10 = arith.constant 0 : i32
    %scan3A_11 = arith.constant 125 : i32
    %scan3A_12 = arith.addi %scan3A_10, %scan3A_11 : i32
    %scan3A_13 = arith.constant 1 : i32
    scf.for %scan3A_71 = %scan3A_10 to %scan3A_12 step %scan3A_13  : i32 {
      %mul3A_72 = arith.constant 80 : i32
      %mul3A_73 = arith.muli %scan3A_71, %mul3A_72 : i32
      %add3A_74 = arith.addi %mul3A_2, %mul3A_73 : i32
      %dma_start3A_75 = arith.constant 0 : i32
      %dma_start3A_76 = tpu.memref_slice %arg8[%scan3A_71, %dma_start3A_75] : memref<125x80xi32, #tpu.memory_space<vmem>> -> memref<1x80xi32, #tpu.memory_space<vmem>>
      %dma_start3A_77 = tpu.memref_squeeze %dma_start3A_76 : memref<1x80xi32, #tpu.memory_space<vmem>> -> memref<80xi32, #tpu.memory_space<vmem>>
      %dma_start3A_78 = tpu.memref_slice %arg4[%add3A_74] : memref<320000xi32, #tpu.memory_space<hbm>> -> memref<80xi32, #tpu.memory_space<hbm>>
      %dma_start3A_79 = arith.constant 0 : i32
      %dma_start3A_80 = tpu.memref_slice %arg8[%scan3A_71, %dma_start3A_79] : memref<125x80xi32, #tpu.memory_space<vmem>> -> memref<1x80xi32, #tpu.memory_space<vmem>>
      %dma_start3A_81 = tpu.memref_squeeze %dma_start3A_80 : memref<1x80xi32, #tpu.memory_space<vmem>> -> memref<80xi32, #tpu.memory_space<vmem>>
      %dma_start3A_82 = tpu.memref_slice %arg4[%add3A_74] : memref<320000xi32, #tpu.memory_space<hbm>> -> memref<80xi32, #tpu.memory_space<hbm>>
      tpu.enqueue_dma source(%dma_start3A_82 : memref<80xi32, #tpu.memory_space<hbm>>) target(%dma_start3A_81 : memref<80xi32, #tpu.memory_space<vmem>>) target_semaphore(%arg11 : memref<!tpu.dma_semaphore, #tpu.memory_space<semaphore_mem>>)
    }
    %scan3A_14 = arith.constant 125 : i32
    %scan3A_15 = arith.constant 0 : i32
    %scan3A_16 = arith.constant 0 : i32
    %scan3A_17 = arith.constant 125 : i32
    %scan3A_18 = arith.addi %scan3A_16, %scan3A_17 : i32
    %scan3A_19 = arith.constant 1 : i32
    scf.for %scan3A_71 = %scan3A_16 to %scan3A_18 step %scan3A_19  : i32 {
      %dma_wait3A_72 = arith.constant 0 : i32
      %dma_wait3A_73 = arith.constant 0 : i32
      %dma_wait3A_74 = tpu.memref_slice %arg8[%dma_wait3A_72, %dma_wait3A_73] : memref<125x80xi32, #tpu.memory_space<vmem>> -> memref<1x80xi32, #tpu.memory_space<vmem>>
      %dma_wait3A_75 = tpu.memref_squeeze %dma_wait3A_74 : memref<1x80xi32, #tpu.memory_space<vmem>> -> memref<80xi32, #tpu.memory_space<vmem>>
      %dma_wait3A_76 = tpu.memref_slice %arg4[%mul3A_2] : memref<320000xi32, #tpu.memory_space<hbm>> -> memref<80xi32, #tpu.memory_space<hbm>>
      %dma_wait3A_77 = arith.constant 0 : i32
      %dma_wait3A_78 = tpu.memref_slice %arg8[%dma_wait3A_72, %dma_wait3A_77] : memref<125x80xi32, #tpu.memory_space<vmem>> -> memref<1x80xi32, #tpu.memory_space<vmem>>
      %dma_wait3A_79 = tpu.memref_squeeze %dma_wait3A_78 : memref<1x80xi32, #tpu.memory_space<vmem>> -> memref<80xi32, #tpu.memory_space<vmem>>
      %dma_wait3A_80 = tpu.memref_slice %arg4[%mul3A_2] : memref<320000xi32, #tpu.memory_space<hbm>> -> memref<80xi32, #tpu.memory_space<hbm>>
      tpu.wait_dma2 semaphore(%arg11 : memref<!tpu.dma_semaphore, #tpu.memory_space<semaphore_mem>>) src(%dma_wait3A_80 : memref<80xi32, #tpu.memory_space<hbm>>) dst(%dma_wait3A_79 : memref<80xi32, #tpu.memory_space<vmem>>)
    }
    %scan3A_20 = arith.constant 125 : i32
    %scan3A_21 = arith.constant 0 : i32
    %scan3A_22 = arith.constant 0 : i32
    %scan3A_23 = arith.constant 125 : i32
    %scan3A_24 = arith.addi %scan3A_22, %scan3A_23 : i32
    %scan3A_25 = arith.constant 1 : i32
    scf.for %scan3A_71 = %scan3A_22 to %scan3A_24 step %scan3A_25  : i32 {
      %mul3A_72 = arith.constant 80 : i32
      %mul3A_73 = arith.muli %scan3A_71, %mul3A_72 : i32
      %add3A_74 = arith.addi %mul3A_2, %mul3A_73 : i32
      %jit3A = arith.constant 40000 : i32
      %div3A = arith.divsi %add3A_74, %jit3A : i32
      %sign3A = arith.constant 0 : i32
      %sign3A_75 = arith.cmpi sgt, %add3A_74, %sign3A : i32
      %sign3A_76 = arith.extui %sign3A_75 : i1 to i32
      %sign3A_77 = arith.constant 0 : i32
      %sign3A_78 = arith.cmpi slt, %add3A_74, %sign3A_77 : i32
      %sign3A_79 = arith.extui %sign3A_78 : i1 to i32
      %sign3A_80 = arith.subi %sign3A_76, %sign3A_79 : i32
      %sign3A_81 = arith.constant 0 : i32
      %sign3A_82 = arith.cmpi sgt, %jit3A, %sign3A_81 : i32
      %sign3A_83 = arith.extui %sign3A_82 : i1 to i32
      %sign3A_84 = arith.constant 0 : i32
      %sign3A_85 = arith.cmpi slt, %jit3A, %sign3A_84 : i32
      %sign3A_86 = arith.extui %sign3A_85 : i1 to i32
      %sign3A_87 = arith.subi %sign3A_83, %sign3A_86 : i32
      %ne3A = arith.cmpi ne, %sign3A_80, %sign3A_87 : i32
      %rem3A = arith.remsi %add3A_74, %jit3A : i32
      %ne3A_88 = arith.constant 0 : i32
      %ne3A_89 = arith.cmpi ne, %rem3A, %ne3A_88 : i32
      %and3A = arith.andi %ne3A, %ne3A_89 : i1
      %sub3A = arith.constant 1 : i32
      %sub3A_90 = arith.subi %div3A, %sub3A : i32
      %select_n3A = arith.select %and3A, %sub3A_90, %div3A : i32
      %mul3A_91 = arith.constant 1250 : i32
      %mul3A_92 = arith.muli %select_n3A, %mul3A_91 : i32
      %mul3A_93 = arith.constant 80 : i32
      %mul3A_94 = arith.muli %scan3A_71, %mul3A_93 : i32
      %add3A_95 = arith.constant 0 : i32
      %add3A_96 = arith.addi %mul3A_94, %add3A_95 : i32
      %get3A = arith.index_cast %add3A_96 : i32 to index
      %get3A_97 = tpu.vector_load %arg7[%get3A] {strides = array<i32>} : memref<10000xi32, #tpu.memory_space<vmem>>, vector<16xi32>,
      %get3A_98 = vector.shape_cast %get3A_97 : vector<16xi32> to vector<16xi32>
      %get3A_99 = arith.index_cast %scan3A_71 : i32 to index
      %get3A_100 = arith.constant 0 : index
      %get3A_101 = tpu.vector_load %arg8[%get3A_99, %get3A_100] {strides = array<i32>} : memref<125x80xi32, #tpu.memory_space<vmem>>, vector<1x16xi32>,
      %get3A_102 = vector.shape_cast %get3A_101 : vector<1x16xi32> to vector<16xi32>
      %ge3A = vector.broadcast %mul3A_92 : i32 to vector<16xi32>
      %ge3A_103 = arith.cmpi sge, %get3A_98, %ge3A : vector<16xi32>
      %ge3A_104 = vector.broadcast %mul3A_92 : i32 to vector<16xi32>
      %ge3A_105 = arith.cmpi sge, %get3A_102, %ge3A_104 : vector<16xi32>
      %and3A_106 = arith.andi %ge3A_103, %ge3A_105 : vector<16xi1>
      %jit3A_107 = arith.constant 10000 : i32
      %broadcast_in_dim3A = vector.broadcast %jit3A_107 : i32 to vector<16xi32>
      %select_n3A_108 = arith.select %and3A_106, %get3A_102, %broadcast_in_dim3A : vector<16xi1>, vector<16xi32>
      %swap3A = arith.index_cast %scan3A_71 : i32 to index
      %swap3A_109 = arith.constant 0 : index
      %swap3A_110 = tpu.vector_load %arg8[%swap3A, %swap3A_109] {strides = array<i32>} : memref<125x80xi32, #tpu.memory_space<vmem>>, vector<1x16xi32>,
      %swap3A_111 = vector.shape_cast %swap3A_110 : vector<1x16xi32> to vector<16xi32>
      %swap3A_112 = vector.shape_cast %select_n3A_108 : vector<16xi32> to vector<1x16xi32>
      tpu.vector_store %arg8[%swap3A, %swap3A_109], %swap3A_112 {strides = array<i32>} : memref<125x80xi32, #tpu.memory_space<vmem>>, vector<1x16xi32>,
      %mul3A_113 = arith.constant 80 : i32
      %mul3A_114 = arith.muli %scan3A_71, %mul3A_113 : i32
      %add3A_115 = arith.constant 16 : i32
      %add3A_116 = arith.addi %mul3A_114, %add3A_115 : i32
      %get3A_117 = arith.index_cast %add3A_116 : i32 to index
      %get3A_118 = tpu.vector_load %arg7[%get3A_117] {strides = array<i32>} : memref<10000xi32, #tpu.memory_space<vmem>>, vector<16xi32>,
      %get3A_119 = vector.shape_cast %get3A_118 : vector<16xi32> to vector<16xi32>
      %get3A_120 = arith.index_cast %scan3A_71 : i32 to index
      %get3A_121 = arith.constant 16 : index
      %get3A_122 = tpu.vector_load %arg8[%get3A_120, %get3A_121] {strides = array<i32>} : memref<125x80xi32, #tpu.memory_space<vmem>>, vector<1x16xi32>,
      %get3A_123 = vector.shape_cast %get3A_122 : vector<1x16xi32> to vector<16xi32>
      %ge3A_124 = vector.broadcast %mul3A_92 : i32 to vector<16xi32>
      %ge3A_125 = arith.cmpi sge, %get3A_119, %ge3A_124 : vector<16xi32>
      %ge3A_126 = vector.broadcast %mul3A_92 : i32 to vector<16xi32>
      %ge3A_127 = arith.cmpi sge, %get3A_123, %ge3A_126 : vector<16xi32>
      %and3A_128 = arith.andi %ge3A_125, %ge3A_127 : vector<16xi1>
      %jit3A_129 = arith.constant 10000 : i32
      %broadcast_in_dim3A_130 = vector.broadcast %jit3A_129 : i32 to vector<16xi32>
      %select_n3A_131 = arith.select %and3A_128, %get3A_123, %broadcast_in_dim3A_130 : vector<16xi1>, vector<16xi32>
      %swap3A_132 = arith.index_cast %scan3A_71 : i32 to index
      %swap3A_133 = arith.constant 16 : index
      %swap3A_134 = tpu.vector_load %arg8[%swap3A_132, %swap3A_133] {strides = array<i32>} : memref<125x80xi32, #tpu.memory_space<vmem>>, vector<1x16xi32>,
      %swap3A_135 = vector.shape_cast %swap3A_134 : vector<1x16xi32> to vector<16xi32>
      %swap3A_136 = vector.shape_cast %select_n3A_131 : vector<16xi32> to vector<1x16xi32>
      tpu.vector_store %arg8[%swap3A_132, %swap3A_133], %swap3A_136 {strides = array<i32>} : memref<125x80xi32, #tpu.memory_space<vmem>>, vector<1x16xi32>,
      %mul3A_137 = arith.constant 80 : i32
      %mul3A_138 = arith.muli %scan3A_71, %mul3A_137 : i32
      %add3A_139 = arith.constant 32 : i32
      %add3A_140 = arith.addi %mul3A_138, %add3A_139 : i32
      %get3A_141 = arith.index_cast %add3A_140 : i32 to index
      %get3A_142 = tpu.vector_load %arg7[%get3A_141] {strides = array<i32>} : memref<10000xi32, #tpu.memory_space<vmem>>, vector<16xi32>,
      %get3A_143 = vector.shape_cast %get3A_142 : vector<16xi32> to vector<16xi32>
      %get3A_144 = arith.index_cast %scan3A_71 : i32 to index
      %get3A_145 = arith.constant 32 : index
      %get3A_146 = tpu.vector_load %arg8[%get3A_144, %get3A_145] {strides = array<i32>} : memref<125x80xi32, #tpu.memory_space<vmem>>, vector<1x16xi32>,
      %get3A_147 = vector.shape_cast %get3A_146 : vector<1x16xi32> to vector<16xi32>
      %ge3A_148 = vector.broadcast %mul3A_92 : i32 to vector<16xi32>
      %ge3A_149 = arith.cmpi sge, %get3A_143, %ge3A_148 : vector<16xi32>
      %ge3A_150 = vector.broadcast %mul3A_92 : i32 to vector<16xi32>
      %ge3A_151 = arith.cmpi sge, %get3A_147, %ge3A_150 : vector<16xi32>
      %and3A_152 = arith.andi %ge3A_149, %ge3A_151 : vector<16xi1>
      %jit3A_153 = arith.constant 10000 : i32
      %broadcast_in_dim3A_154 = vector.broadcast %jit3A_153 : i32 to vector<16xi32>
      %select_n3A_155 = arith.select %and3A_152, %get3A_147, %broadcast_in_dim3A_154 : vector<16xi1>, vector<16xi32>
      %swap3A_156 = arith.index_cast %scan3A_71 : i32 to index
      %swap3A_157 = arith.constant 32 : index
      %swap3A_158 = tpu.vector_load %arg8[%swap3A_156, %swap3A_157] {strides = array<i32>} : memref<125x80xi32, #tpu.memory_space<vmem>>, vector<1x16xi32>,
      %swap3A_159 = vector.shape_cast %swap3A_158 : vector<1x16xi32> to vector<16xi32>
      %swap3A_160 = vector.shape_cast %select_n3A_155 : vector<16xi32> to vector<1x16xi32>
      tpu.vector_store %arg8[%swap3A_156, %swap3A_157], %swap3A_160 {strides = array<i32>} : memref<125x80xi32, #tpu.memory_space<vmem>>, vector<1x16xi32>,
      %mul3A_161 = arith.constant 80 : i32
      %mul3A_162 = arith.muli %scan3A_71, %mul3A_161 : i32
      %add3A_163 = arith.constant 48 : i32
      %add3A_164 = arith.addi %mul3A_162, %add3A_163 : i32
      %get3A_165 = arith.index_cast %add3A_164 : i32 to index
      %get3A_166 = tpu.vector_load %arg7[%get3A_165] {strides = array<i32>} : memref<10000xi32, #tpu.memory_space<vmem>>, vector<16xi32>,
      %get3A_167 = vector.shape_cast %get3A_166 : vector<16xi32> to vector<16xi32>
      %get3A_168 = arith.index_cast %scan3A_71 : i32 to index
      %get3A_169 = arith.constant 48 : index
      %get3A_170 = tpu.vector_load %arg8[%get3A_168, %get3A_169] {strides = array<i32>} : memref<125x80xi32, #tpu.memory_space<vmem>>, vector<1x16xi32>,
      %get3A_171 = vector.shape_cast %get3A_170 : vector<1x16xi32> to vector<16xi32>
      %ge3A_172 = vector.broadcast %mul3A_92 : i32 to vector<16xi32>
      %ge3A_173 = arith.cmpi sge, %get3A_167, %ge3A_172 : vector<16xi32>
      %ge3A_174 = vector.broadcast %mul3A_92 : i32 to vector<16xi32>
      %ge3A_175 = arith.cmpi sge, %get3A_171, %ge3A_174 : vector<16xi32>
      %and3A_176 = arith.andi %ge3A_173, %ge3A_175 : vector<16xi1>
      %jit3A_177 = arith.constant 10000 : i32
      %broadcast_in_dim3A_178 = vector.broadcast %jit3A_177 : i32 to vector<16xi32>
      %select_n3A_179 = arith.select %and3A_176, %get3A_171, %broadcast_in_dim3A_178 : vector<16xi1>, vector<16xi32>
      %swap3A_180 = arith.index_cast %scan3A_71 : i32 to index
      %swap3A_181 = arith.constant 48 : index
      %swap3A_182 = tpu.vector_load %arg8[%swap3A_180, %swap3A_181] {strides = array<i32>} : memref<125x80xi32, #tpu.memory_space<vmem>>, vector<1x16xi32>,
      %swap3A_183 = vector.shape_cast %swap3A_182 : vector<1x16xi32> to vector<16xi32>
      %swap3A_184 = vector.shape_cast %select_n3A_179 : vector<16xi32> to vector<1x16xi32>
      tpu.vector_store %arg8[%swap3A_180, %swap3A_181], %swap3A_184 {strides = array<i32>} : memref<125x80xi32, #tpu.memory_space<vmem>>, vector<1x16xi32>,
      %mul3A_185 = arith.constant 80 : i32
      %mul3A_186 = arith.muli %scan3A_71, %mul3A_185 : i32
      %add3A_187 = arith.constant 64 : i32
      %add3A_188 = arith.addi %mul3A_186, %add3A_187 : i32
      %get3A_189 = arith.index_cast %add3A_188 : i32 to index
      %get3A_190 = tpu.vector_load %arg7[%get3A_189] {strides = array<i32>} : memref<10000xi32, #tpu.memory_space<vmem>>, vector<16xi32>,
      %get3A_191 = vector.shape_cast %get3A_190 : vector<16xi32> to vector<16xi32>
      %get3A_192 = arith.index_cast %scan3A_71 : i32 to index
      %get3A_193 = arith.constant 64 : index
      %get3A_194 = tpu.vector_load %arg8[%get3A_192, %get3A_193] {strides = array<i32>} : memref<125x80xi32, #tpu.memory_space<vmem>>, vector<1x16xi32>,
      %get3A_195 = vector.shape_cast %get3A_194 : vector<1x16xi32> to vector<16xi32>
      %ge3A_196 = vector.broadcast %mul3A_92 : i32 to vector<16xi32>
      %ge3A_197 = arith.cmpi sge, %get3A_191, %ge3A_196 : vector<16xi32>
      %ge3A_198 = vector.broadcast %mul3A_92 : i32 to vector<16xi32>
      %ge3A_199 = arith.cmpi sge, %get3A_195, %ge3A_198 : vector<16xi32>
      %and3A_200 = arith.andi %ge3A_197, %ge3A_199 : vector<16xi1>
      %jit3A_201 = arith.constant 10000 : i32
      %broadcast_in_dim3A_202 = vector.broadcast %jit3A_201 : i32 to vector<16xi32>
      %select_n3A_203 = arith.select %and3A_200, %get3A_195, %broadcast_in_dim3A_202 : vector<16xi1>, vector<16xi32>
      %swap3A_204 = arith.index_cast %scan3A_71 : i32 to index
      %swap3A_205 = arith.constant 64 : index
      %swap3A_206 = tpu.vector_load %arg8[%swap3A_204, %swap3A_205] {strides = array<i32>} : memref<125x80xi32, #tpu.memory_space<vmem>>, vector<1x16xi32>,
      %swap3A_207 = vector.shape_cast %swap3A_206 : vector<1x16xi32> to vector<16xi32>
      %swap3A_208 = vector.shape_cast %select_n3A_203 : vector<16xi32> to vector<1x16xi32>
      tpu.vector_store %arg8[%swap3A_204, %swap3A_205], %swap3A_208 {strides = array<i32>} : memref<125x80xi32, #tpu.memory_space<vmem>>, vector<1x16xi32>,
    }
    %scan3A_26 = arith.constant 125 : i32
    %dma_wait3A = arith.constant 0 : i32
    %dma_wait3A_27 = tpu.memref_slice %arg10[%mul3A_6, %dma_wait3A] : memref<10240x128xf32, #tpu.memory_space<vmem_shared>> -> memref<640x128xf32, #tpu.memory_space<vmem_shared>>
    %dma_wait3A_28 = arith.constant 0 : i32
    %dma_wait3A_29 = tpu.memref_slice %arg5[%mul3A_4, %dma_wait3A_28] : memref<10240x128xf32, #tpu.memory_space<hbm>> -> memref<640x128xf32, #tpu.memory_space<hbm>>
    tpu.wait_dma2 semaphore(%arg15 : memref<!tpu.dma_semaphore, #tpu.memory_space<semaphore_mem>>) src(%dma_wait3A_29 : memref<640x128xf32, #tpu.memory_space<hbm>>) dst(%dma_wait3A_27 : memref<640x128xf32, #tpu.memory_space<vmem_shared>>)
    %barrier3A = arith.constant 0 : index
    tpu.barrier barrier_id(%barrier3A)
    %dma_start3A_30 = arith.constant 0 : i32
    %dma_start3A_31 = arith.constant 0 : i32
    %dma_start3A_32 = arith.constant 0 : i32
    %dma_start3A_33 = tpu.memref_slice %arg9[%dma_start3A_30, %dma_start3A_31, %dma_start3A_32] : memref<2x80x128xf32, #tpu.memory_space<vmem>> -> memref<1x80x128xf32, #tpu.memory_space<vmem>>
    %dma_start3A_34 = tpu.memref_squeeze %dma_start3A_33 : memref<1x80x128xf32, #tpu.memory_space<vmem>> -> memref<80x128xf32, #tpu.memory_space<vmem>>
    %dma_start3A_35 = arith.constant 0 : i32
    %dma_start3A_36 = tpu.memref_slice %arg7[%dma_start3A_35] : memref<10000xi32, #tpu.memory_space<vmem>> -> memref<80xi32, #tpu.memory_space<vmem>>
    %dma_start3A_37 = arith.constant 0 : i32
    %dma_start3A_38 = arith.constant 0 : i32
    %dma_start3A_39 = tpu.memref_slice %arg2[%dma_start3A_37, %dma_start3A_38] : memref<10000x128xf32, #tpu.memory_space<hbm>> -> memref<10000x128xf32, #tpu.memory_space<hbm>>
    tpu.enqueue_indirect_dma source(%dma_start3A_39 : memref<10000x128xf32, #tpu.memory_space<hbm>>) target(%dma_start3A_34 : memref<80x128xf32, #tpu.memory_space<vmem>>) offsets(%dma_start3A_36 : memref<80xi32, #tpu.memory_space<vmem>>) semaphore(%arg11 : memref<!tpu.dma_semaphore, #tpu.memory_space<semaphore_mem>>)
    %dma_start3A_40 = arith.constant 1 : i32
    %dma_start3A_41 = arith.constant 0 : i32
    %dma_start3A_42 = arith.constant 0 : i32
    %dma_start3A_43 = tpu.memref_slice %arg9[%dma_start3A_40, %dma_start3A_41, %dma_start3A_42] : memref<2x80x128xf32, #tpu.memory_space<vmem>> -> memref<1x80x128xf32, #tpu.memory_space<vmem>>
    %dma_start3A_44 = tpu.memref_squeeze %dma_start3A_43 : memref<1x80x128xf32, #tpu.memory_space<vmem>> -> memref<80x128xf32, #tpu.memory_space<vmem>>
    %dma_start3A_45 = arith.constant 80 : i32
    %dma_start3A_46 = tpu.memref_slice %arg7[%dma_start3A_45] : memref<10000xi32, #tpu.memory_space<vmem>> -> memref<80xi32, #tpu.memory_space<vmem>>
    %dma_start3A_47 = arith.constant 0 : i32
    %dma_start3A_48 = arith.constant 0 : i32
    %dma_start3A_49 = tpu.memref_slice %arg2[%dma_start3A_47, %dma_start3A_48] : memref<10000x128xf32, #tpu.memory_space<hbm>> -> memref<10000x128xf32, #tpu.memory_space<hbm>>
    tpu.enqueue_indirect_dma source(%dma_start3A_49 : memref<10000x128xf32, #tpu.memory_space<hbm>>) target(%dma_start3A_44 : memref<80x128xf32, #tpu.memory_space<vmem>>) offsets(%dma_start3A_46 : memref<80xi32, #tpu.memory_space<vmem>>) semaphore(%arg12 : memref<!tpu.dma_semaphore, #tpu.memory_space<semaphore_mem>>)
    %scan3A_50 = arith.constant 0 : i32
    %scan3A_51 = arith.constant 0 : i32
    %scan3A_52 = arith.constant 62 : i32
    %scan3A_53 = arith.addi %scan3A_51, %scan3A_52 : i32
    %scan3A_54 = arith.constant 1 : i32
    scf.for %scan3A_71 = %scan3A_51 to %scan3A_53 step %scan3A_54  : i32 {
      %mul3A_72 = arith.constant 2 : i32
      %mul3A_73 = arith.muli %mul3A_72, %scan3A_71 : i32
      %dma_wait3A_74 = arith.constant 0 : i32
      %dma_wait3A_75 = arith.constant 0 : i32
      %dma_wait3A_76 = arith.constant 0 : i32
      %dma_wait3A_77 = tpu.memref_slice %arg9[%dma_wait3A_74, %dma_wait3A_75, %dma_wait3A_76] : memref<2x80x128xf32, #tpu.memory_space<vmem>> -> memref<1x80x128xf32, #tpu.memory_space<vmem>>
      %dma_wait3A_78 = tpu.memref_squeeze %dma_wait3A_77 : memref<1x80x128xf32, #tpu.memory_space<vmem>> -> memref<80x128xf32, #tpu.memory_space<vmem>>
      %dma_wait3A_79 = arith.constant 0 : i32
      %dma_wait3A_80 = tpu.memref_slice %arg7[%dma_wait3A_79] : memref<10000xi32, #tpu.memory_space<vmem>> -> memref<80xi32, #tpu.memory_space<vmem>>
      %dma_wait3A_81 = arith.constant 0 : i32
      %dma_wait3A_82 = arith.constant 0 : i32
      %dma_wait3A_83 = tpu.memref_slice %arg2[%dma_wait3A_81, %dma_wait3A_82] : memref<10000x128xf32, #tpu.memory_space<hbm>> -> memref<10000x128xf32, #tpu.memory_space<hbm>>
      tpu.wait_indirect_dma semaphore(%arg11 : memref<!tpu.dma_semaphore, #tpu.memory_space<semaphore_mem>>) src(%dma_wait3A_83 : memref<10000x128xf32, #tpu.memory_space<hbm>>) dst(%dma_wait3A_78 : memref<80x128xf32, #tpu.memory_space<vmem>>)
      %add3A_84 = arith.constant 2 : i32
      %add3A_85 = arith.addi %mul3A_73, %add3A_84 : i32
      %lt3A = arith.constant 125 : i32
      %lt3A_86 = arith.cmpi slt, %add3A_85, %lt3A : i32
      %convert_element_type3A = arith.extui %lt3A_86 : i1 to i32
      %cond3A = arith.constant 0 : i32
      %cond3A_87 = arith.cmpi ne, %convert_element_type3A, %cond3A : i32
      scf.if %cond3A_87 {
        %add3A_107 = arith.constant 2 : i32
        %add3A_108 = arith.addi %mul3A_73, %add3A_107 : i32
        %mul3A_109 = arith.constant 80 : i32
        %mul3A_110 = arith.muli %add3A_108, %mul3A_109 : i32
        %dma_start3A_111 = arith.constant 0 : i32
        %dma_start3A_112 = arith.constant 0 : i32
        %dma_start3A_113 = arith.constant 0 : i32
        %dma_start3A_114 = tpu.memref_slice %arg9[%dma_start3A_111, %dma_start3A_112, %dma_start3A_113] : memref<2x80x128xf32, #tpu.memory_space<vmem>> -> memref<1x80x128xf32, #tpu.memory_space<vmem>>
        %dma_start3A_115 = tpu.memref_squeeze %dma_start3A_114 : memref<1x80x128xf32, #tpu.memory_space<vmem>> -> memref<80x128xf32, #tpu.memory_space<vmem>>
        %dma_start3A_116 = tpu.memref_slice %arg7[%mul3A_110] : memref<10000xi32, #tpu.memory_space<vmem>> -> memref<80xi32, #tpu.memory_space<vmem>>
        %dma_start3A_117 = arith.constant 0 : i32
        %dma_start3A_118 = arith.constant 0 : i32
        %dma_start3A_119 = tpu.memref_slice %arg2[%dma_start3A_117, %dma_start3A_118] : memref<10000x128xf32, #tpu.memory_space<hbm>> -> memref<10000x128xf32, #tpu.memory_space<hbm>>
        tpu.enqueue_indirect_dma source(%dma_start3A_119 : memref<10000x128xf32, #tpu.memory_space<hbm>>) target(%dma_start3A_115 : memref<80x128xf32, #tpu.memory_space<vmem>>) offsets(%dma_start3A_116 : memref<80xi32, #tpu.memory_space<vmem>>) semaphore(%arg11 : memref<!tpu.dma_semaphore, #tpu.memory_space<semaphore_mem>>)
      } else {
      }
      %dma_wait3A_88 = arith.constant 1 : i32
      %dma_wait3A_89 = arith.constant 0 : i32
      %dma_wait3A_90 = arith.constant 0 : i32
      %dma_wait3A_91 = tpu.memref_slice %arg9[%dma_wait3A_88, %dma_wait3A_89, %dma_wait3A_90] : memref<2x80x128xf32, #tpu.memory_space<vmem>> -> memref<1x80x128xf32, #tpu.memory_space<vmem>>
      %dma_wait3A_92 = tpu.memref_squeeze %dma_wait3A_91 : memref<1x80x128xf32, #tpu.memory_space<vmem>> -> memref<80x128xf32, #tpu.memory_space<vmem>>
      %dma_wait3A_93 = arith.constant 0 : i32
      %dma_wait3A_94 = tpu.memref_slice %arg7[%dma_wait3A_93] : memref<10000xi32, #tpu.memory_space<vmem>> -> memref<80xi32, #tpu.memory_space<vmem>>
      %dma_wait3A_95 = arith.constant 0 : i32
      %dma_wait3A_96 = arith.constant 0 : i32
      %dma_wait3A_97 = tpu.memref_slice %arg2[%dma_wait3A_95, %dma_wait3A_96] : memref<10000x128xf32, #tpu.memory_space<hbm>> -> memref<10000x128xf32, #tpu.memory_space<hbm>>
      tpu.wait_indirect_dma semaphore(%arg12 : memref<!tpu.dma_semaphore, #tpu.memory_space<semaphore_mem>>) src(%dma_wait3A_97 : memref<10000x128xf32, #tpu.memory_space<hbm>>) dst(%dma_wait3A_92 : memref<80x128xf32, #tpu.memory_space<vmem>>)
      %add3A_98 = arith.constant 1 : i32
      %add3A_99 = arith.addi %mul3A_73, %add3A_98 : i32
      %add3A_100 = arith.constant 3 : i32
      %add3A_101 = arith.addi %mul3A_73, %add3A_100 : i32
      %lt3A_102 = arith.constant 125 : i32
      %lt3A_103 = arith.cmpi slt, %add3A_101, %lt3A_102 : i32
      %convert_element_type3A_104 = arith.extui %lt3A_103 : i1 to i32
      %cond3A_105 = arith.constant 0 : i32
      %cond3A_106 = arith.cmpi ne, %convert_element_type3A_104, %cond3A_105 : i32
      scf.if %cond3A_106 {
        %add3A_107 = arith.constant 3 : i32
        %add3A_108 = arith.addi %mul3A_73, %add3A_107 : i32
        %mul3A_109 = arith.constant 80 : i32
        %mul3A_110 = arith.muli %add3A_108, %mul3A_109 : i32
        %dma_start3A_111 = arith.constant 1 : i32
        %dma_start3A_112 = arith.constant 0 : i32
        %dma_start3A_113 = arith.constant 0 : i32
        %dma_start3A_114 = tpu.memref_slice %arg9[%dma_start3A_111, %dma_start3A_112, %dma_start3A_113] : memref<2x80x128xf32, #tpu.memory_space<vmem>> -> memref<1x80x128xf32, #tpu.memory_space<vmem>>
        %dma_start3A_115 = tpu.memref_squeeze %dma_start3A_114 : memref<1x80x128xf32, #tpu.memory_space<vmem>> -> memref<80x128xf32, #tpu.memory_space<vmem>>
        %dma_start3A_116 = tpu.memref_slice %arg7[%mul3A_110] : memref<10000xi32, #tpu.memory_space<vmem>> -> memref<80xi32, #tpu.memory_space<vmem>>
        %dma_start3A_117 = arith.constant 0 : i32
        %dma_start3A_118 = arith.constant 0 : i32
        %dma_start3A_119 = tpu.memref_slice %arg2[%dma_start3A_117, %dma_start3A_118] : memref<10000x128xf32, #tpu.memory_space<hbm>> -> memref<10000x128xf32, #tpu.memory_space<hbm>>
        tpu.enqueue_indirect_dma source(%dma_start3A_119 : memref<10000x128xf32, #tpu.memory_space<hbm>>) target(%dma_start3A_115 : memref<80x128xf32, #tpu.memory_space<vmem>>) offsets(%dma_start3A_116 : memref<80xi32, #tpu.memory_space<vmem>>) semaphore(%arg12 : memref<!tpu.dma_semaphore, #tpu.memory_space<semaphore_mem>>)
      } else {
      }
    }
    %scan3A_55 = arith.constant 62 : i32
    %dma_wait3A_56 = arith.constant 0 : i32
    %dma_wait3A_57 = arith.constant 0 : i32
    %dma_wait3A_58 = arith.constant 0 : i32
    %dma_wait3A_59 = tpu.memref_slice %arg9[%dma_wait3A_56, %dma_wait3A_57, %dma_wait3A_58] : memref<2x80x128xf32, #tpu.memory_space<vmem>> -> memref<1x80x128xf32, #tpu.memory_space<vmem>>
    %dma_wait3A_60 = tpu.memref_squeeze %dma_wait3A_59 : memref<1x80x128xf32, #tpu.memory_space<vmem>> -> memref<80x128xf32, #tpu.memory_space<vmem>>
    %dma_wait3A_61 = arith.constant 0 : i32
    %dma_wait3A_62 = tpu.memref_slice %arg7[%dma_wait3A_61] : memref<10000xi32, #tpu.memory_space<vmem>> -> memref<80xi32, #tpu.memory_space<vmem>>
    %dma_wait3A_63 = arith.constant 0 : i32
    %dma_wait3A_64 = arith.constant 0 : i32
    %dma_wait3A_65 = tpu.memref_slice %arg2[%dma_wait3A_63, %dma_wait3A_64] : memref<10000x128xf32, #tpu.memory_space<hbm>> -> memref<10000x128xf32, #tpu.memory_space<hbm>>
    tpu.wait_indirect_dma semaphore(%arg11 : memref<!tpu.dma_semaphore, #tpu.memory_space<semaphore_mem>>) src(%dma_wait3A_65 : memref<10000x128xf32, #tpu.memory_space<hbm>>) dst(%dma_wait3A_60 : memref<80x128xf32, #tpu.memory_space<vmem>>)
    %barrier3A_66 = arith.constant 0 : index
    tpu.barrier barrier_id(%barrier3A_66)
    %mul3A_67 = arith.constant 640 : i32
    %mul3A_68 = arith.muli %arg1, %mul3A_67 : i32
    %mul3A_69 = arith.constant 640 : i32
    %mul3A_70 = arith.muli %arg1, %mul3A_69 : i32
    "tpu.region"() ({
      %run_scoped3A = tpu.sem_alloc : memref<!tpu.dma_semaphore, #tpu.memory_space<semaphore_mem>>
      %dma_start3A_71 = arith.constant 0 : i32
      %dma_start3A_72 = tpu.memref_slice %arg6[%arg0, %mul3A_70, %dma_start3A_71] : memref<2x10240x128xf32, #tpu.memory_space<hbm>> -> memref<1x640x128xf32, #tpu.memory_space<hbm>>
      %dma_start3A_73 = tpu.memref_squeeze %dma_start3A_72 : memref<1x640x128xf32, #tpu.memory_space<hbm>> -> memref<640x128xf32, #tpu.memory_space<hbm>>
      %dma_start3A_74 = arith.constant 0 : i32
      %dma_start3A_75 = tpu.memref_slice %arg10[%mul3A_68, %dma_start3A_74] : memref<10240x128xf32, #tpu.memory_space<vmem_shared>> -> memref<640x128xf32, #tpu.memory_space<vmem_shared>>
      tpu.enqueue_dma source(%dma_start3A_75 : memref<640x128xf32, #tpu.memory_space<vmem_shared>>) target(%dma_start3A_73 : memref<640x128xf32, #tpu.memory_space<hbm>>) target_semaphore(%run_scoped3A : memref<!tpu.dma_semaphore, #tpu.memory_space<semaphore_mem>>)
      %dma_wait3A_76 = arith.constant 0 : i32
      %dma_wait3A_77 = tpu.memref_slice %arg6[%arg0, %mul3A_70, %dma_wait3A_76] : memref<2x10240x128xf32, #tpu.memory_space<hbm>> -> memref<1x640x128xf32, #tpu.memory_space<hbm>>
      %dma_wait3A_78 = tpu.memref_squeeze %dma_wait3A_77 : memref<1x640x128xf32, #tpu.memory_space<hbm>> -> memref<640x128xf32, #tpu.memory_space<hbm>>
      %dma_wait3A_79 = arith.constant 0 : i32
      %dma_wait3A_80 = tpu.memref_slice %arg10[%mul3A_68, %dma_wait3A_79] : memref<10240x128xf32, #tpu.memory_space<vmem_shared>> -> memref<640x128xf32, #tpu.memory_space<vmem_shared>>
      tpu.wait_dma2 semaphore(%run_scoped3A : memref<!tpu.dma_semaphore, #tpu.memory_space<semaphore_mem>>) src(%dma_wait3A_80 : memref<640x128xf32, #tpu.memory_space<vmem_shared>>) dst(%dma_wait3A_78 : memref<640x128xf32, #tpu.memory_space<hbm>>)
      tpu.yield
    }) : () -> ()
    return
  }
}

module attributes {stable_mosaic.version = 14 : i64} {
  func.func @_mlp1_body(%arg0: memref<10000x128xf32, #tpu.memory_space<vmem>>, %arg1: memref<2x10240x128xf32, #tpu.memory_space<vmem>>, %arg2: memref<128x32xf32, #tpu.memory_space<vmem>>, %arg3: memref<32xf32, #tpu.memory_space<vmem>>, %arg4: memref<32x64xf32, #tpu.memory_space<vmem>>, %arg5: memref<64xf32, #tpu.memory_space<vmem>>, %arg6: memref<64xf32, #tpu.memory_space<vmem>>, %arg7: memref<64xf32, #tpu.memory_space<vmem>>, %arg8: memref<64x64xf32, #tpu.memory_space<vmem>>, %arg9: memref<10000x128xf32, #tpu.memory_space<vmem>>) attributes {dimension_semantics = [], scalar_prefetch = 0 : i64, scratch_operands = 0 : i64, tpu.core_type = #tpu.core_type<tc>} {
    %get3A = arith.constant 0 : index
    %get3A_0 = arith.constant 0 : index
    %get3A_1 = vector.load %arg0[%get3A, %get3A_0] : memref<10000x128xf32, #tpu.memory_space<vmem>>, vector<10000x128xf32>
    %get3A_2 = arith.constant 0 : index
    %get3A_3 = arith.constant 0 : index
    %get3A_4 = arith.constant 0 : index
    %get3A_5 = vector.load %arg1[%get3A_2, %get3A_3, %get3A_4] : memref<2x10240x128xf32, #tpu.memory_space<vmem>>, vector<1x10000x128xf32>
    %get3A_6 = vector.shape_cast %get3A_5 : vector<1x10000x128xf32> to vector<10000x128xf32>
    %add3A = arith.addf %get3A_1, %get3A_6 : vector<10000x128xf32>
    %get3A_7 = arith.constant 1 : index
    %get3A_8 = arith.constant 0 : index
    %get3A_9 = arith.constant 0 : index
    %get3A_10 = vector.load %arg1[%get3A_7, %get3A_8, %get3A_9] : memref<2x10240x128xf32, #tpu.memory_space<vmem>>, vector<1x10000x128xf32>
    %get3A_11 = vector.shape_cast %get3A_10 : vector<1x10000x128xf32> to vector<10000x128xf32>
    %add3A_12 = arith.addf %add3A, %get3A_11 : vector<10000x128xf32>
    %get3A_13 = arith.constant 0 : index
    %get3A_14 = arith.constant 0 : index
    %get3A_15 = vector.load %arg2[%get3A_13, %get3A_14] : memref<128x32xf32, #tpu.memory_space<vmem>>, vector<128x32xf32>
    %dot_general3A = arith.constant dense<0.000000e+00> : vector<10000x32xf32>
    %dot_general3A_16 = tpu.matmul %add3A_12, %get3A_15, %dot_general3A {dimension_numbers = #tpu.dot_dimension_numbers<[1], [0], [0], [1], [0, 0, 1, 1], [], []>, transpose_lhs_hint = false} : vector<10000x128xf32>, vector<128x32xf32>, vector<10000x32xf32> -> vector<10000x32xf32>
    %get3A_17 = arith.constant 0 : index
    %get3A_18 = vector.load %arg3[%get3A_17] : memref<32xf32, #tpu.memory_space<vmem>>, vector<32xf32>
    %broadcast_in_dim3A = vector.shape_cast %get3A_18 : vector<32xf32> to vector<1x32xf32>
    %add3A_19 = vector.broadcast %broadcast_in_dim3A : vector<1x32xf32> to vector<10000x32xf32>
    %add3A_20 = arith.addf %dot_general3A_16, %add3A_19 : vector<10000x32xf32>
    %max3A = arith.constant 0.000000e+00 : f32
    %max3A_21 = vector.broadcast %max3A : f32 to vector<10000x32xf32>
    %max3A_22 = arith.maximumf %add3A_20, %max3A_21 : vector<10000x32xf32>
    %get3A_23 = arith.constant 0 : index
    %get3A_24 = arith.constant 0 : index
    %get3A_25 = vector.load %arg4[%get3A_23, %get3A_24] : memref<32x64xf32, #tpu.memory_space<vmem>>, vector<32x64xf32>
    %dot_general3A_26 = arith.constant dense<0.000000e+00> : vector<10000x64xf32>
    %dot_general3A_27 = tpu.matmul %max3A_22, %get3A_25, %dot_general3A_26 {dimension_numbers = #tpu.dot_dimension_numbers<[1], [0], [0], [1], [0, 0, 1, 1], [], []>, transpose_lhs_hint = false} : vector<10000x32xf32>, vector<32x64xf32>, vector<10000x64xf32> -> vector<10000x64xf32>
    %get3A_28 = arith.constant 0 : index
    %get3A_29 = vector.load %arg5[%get3A_28] : memref<64xf32, #tpu.memory_space<vmem>>, vector<64xf32>
    %broadcast_in_dim3A_30 = vector.shape_cast %get3A_29 : vector<64xf32> to vector<1x64xf32>
    %add3A_31 = vector.broadcast %broadcast_in_dim3A_30 : vector<1x64xf32> to vector<10000x64xf32>
    %add3A_32 = arith.addf %dot_general3A_27, %add3A_31 : vector<10000x64xf32>
    %max3A_33 = arith.constant 0.000000e+00 : f32
    %max3A_34 = vector.broadcast %max3A_33 : f32 to vector<10000x64xf32>
    %max3A_35 = arith.maximumf %add3A_32, %max3A_34 : vector<10000x64xf32>
    %reduce_sum3A = arith.constant dense<0.000000e+00> : vector<64xf32>
    %reduce_sum3A_36 = vector.multi_reduction <add>, %max3A_35, %reduce_sum3A [0] : vector<10000x64xf32> to vector<64xf32>
    %div3A = arith.constant 1.000000e+04 : f32
    %div3A_37 = vector.broadcast %div3A : f32 to vector<64xf32>
    %div3A_38 = arith.divf %reduce_sum3A_36, %div3A_37 : vector<64xf32>
    %broadcast_in_dim3A_39 = vector.shape_cast %div3A_38 : vector<64xf32> to vector<1x64xf32>
    %sub3A = vector.broadcast %broadcast_in_dim3A_39 : vector<1x64xf32> to vector<10000x64xf32>
    %sub3A_40 = arith.subf %max3A_35, %sub3A : vector<10000x64xf32>
    %integer_pow3A = arith.mulf %sub3A_40, %sub3A_40 : vector<10000x64xf32>
    %reduce_sum3A_41 = arith.constant dense<0.000000e+00> : vector<64xf32>
    %reduce_sum3A_42 = vector.multi_reduction <add>, %integer_pow3A, %reduce_sum3A_41 [0] : vector<10000x64xf32> to vector<64xf32>
    %div3A_43 = arith.constant 1.000000e+04 : f32
    %div3A_44 = vector.broadcast %div3A_43 : f32 to vector<64xf32>
    %div3A_45 = arith.divf %reduce_sum3A_42, %div3A_44 : vector<64xf32>
    %broadcast_in_dim3A_46 = vector.shape_cast %div3A_38 : vector<64xf32> to vector<1x64xf32>
    %sub3A_47 = vector.broadcast %broadcast_in_dim3A_46 : vector<1x64xf32> to vector<10000x64xf32>
    %sub3A_48 = arith.subf %max3A_35, %sub3A_47 : vector<10000x64xf32>
    %add3A_49 = arith.constant 9.99999974E-6 : f32
    %add3A_50 = vector.broadcast %add3A_49 : f32 to vector<64xf32>
    %add3A_51 = arith.addf %div3A_45, %add3A_50 : vector<64xf32>
    %sqrt3A = math.sqrt %add3A_51 : vector<64xf32>
    %broadcast_in_dim3A_52 = vector.shape_cast %sqrt3A : vector<64xf32> to vector<1x64xf32>
    %div3A_53 = vector.broadcast %broadcast_in_dim3A_52 : vector<1x64xf32> to vector<10000x64xf32>
    %div3A_54 = arith.divf %sub3A_48, %div3A_53 : vector<10000x64xf32>
    %get3A_55 = arith.constant 0 : index
    %get3A_56 = vector.load %arg6[%get3A_55] : memref<64xf32, #tpu.memory_space<vmem>>, vector<64xf32>
    %broadcast_in_dim3A_57 = vector.shape_cast %get3A_56 : vector<64xf32> to vector<1x64xf32>
    %mul3A = vector.broadcast %broadcast_in_dim3A_57 : vector<1x64xf32> to vector<10000x64xf32>
    %mul3A_58 = arith.mulf %div3A_54, %mul3A : vector<10000x64xf32>
    %get3A_59 = arith.constant 0 : index
    %get3A_60 = vector.load %arg7[%get3A_59] : memref<64xf32, #tpu.memory_space<vmem>>, vector<64xf32>
    %broadcast_in_dim3A_61 = vector.shape_cast %get3A_60 : vector<64xf32> to vector<1x64xf32>
    %add3A_62 = vector.broadcast %broadcast_in_dim3A_61 : vector<1x64xf32> to vector<10000x64xf32>
    %add3A_63 = arith.addf %mul3A_58, %add3A_62 : vector<10000x64xf32>
    %get3A_64 = arith.constant 0 : index
    %get3A_65 = arith.constant 0 : index
    %get3A_66 = vector.load %arg8[%get3A_64, %get3A_65] : memref<64x64xf32, #tpu.memory_space<vmem>>, vector<64x64xf32>
    %dot_general3A_67 = arith.constant dense<0.000000e+00> : vector<10000x64xf32>
    %dot_general3A_68 = tpu.matmul %add3A_63, %get3A_66, %dot_general3A_67 {dimension_numbers = #tpu.dot_dimension_numbers<[1], [0], [0], [1], [0, 0, 1, 1], [], []>, transpose_lhs_hint = false} : vector<10000x64xf32>, vector<64x64xf32>, vector<10000x64xf32> -> vector<10000x64xf32>
    %broadcast_in_dim3A_69 = arith.constant 0.000000e+00 : f32
    %broadcast_in_dim3A_70 = vector.broadcast %broadcast_in_dim3A_69 : f32 to vector<10000x64xf32>
    %concatenate3A = tpu.concatenate %dot_general3A_68, %broadcast_in_dim3A_70 in 1 : vector<10000x64xf32>, vector<10000x64xf32> -> vector<10000x128xf32>
    %swap3A = arith.constant 0 : index
    %swap3A_71 = arith.constant 0 : index
    %swap3A_72 = vector.load %arg9[%swap3A, %swap3A_71] : memref<10000x128xf32, #tpu.memory_space<vmem>>, vector<10000x128xf32>
    tpu.vector_store %arg9[%swap3A, %swap3A_71], %concatenate3A {strides = array<i32>} : memref<10000x128xf32, #tpu.memory_space<vmem>>, vector<10000x128xf32>,
    return
  }
}

module attributes {stable_mosaic.version = 14 : i64} {
  func.func @_mlp2_body(%arg0: memref<10000x128xf32, #tpu.memory_space<vmem>>, %arg1: memref<2x10240x128xf32, #tpu.memory_space<vmem>>, %arg2: memref<64xf32, #tpu.memory_space<vmem>>, %arg3: memref<64x64xf32, #tpu.memory_space<vmem>>, %arg4: memref<64xf32, #tpu.memory_space<vmem>>, %arg5: memref<64xf32, #tpu.memory_space<vmem>>, %arg6: memref<64xf32, #tpu.memory_space<vmem>>, %arg7: memref<10000x1xi32, #tpu.memory_space<vmem>>, %arg8: memref<8x64xf32, #tpu.memory_space<vmem>>) attributes {dimension_semantics = [], scalar_prefetch = 0 : i64, scratch_operands = 0 : i64, tpu.core_type = #tpu.core_type<tc>} {
    %get3A = arith.constant 0 : index
    %get3A_0 = arith.constant 0 : index
    %get3A_1 = vector.load %arg0[%get3A, %get3A_0] : memref<10000x128xf32, #tpu.memory_space<vmem>>, vector<10000x64xf32>
    %get3A_2 = arith.constant 0 : index
    %get3A_3 = arith.constant 0 : index
    %get3A_4 = arith.constant 0 : index
    %get3A_5 = vector.load %arg1[%get3A_2, %get3A_3, %get3A_4] : memref<2x10240x128xf32, #tpu.memory_space<vmem>>, vector<1x10000x64xf32>
    %get3A_6 = vector.shape_cast %get3A_5 : vector<1x10000x64xf32> to vector<10000x64xf32>
    %add3A = arith.addf %get3A_1, %get3A_6 : vector<10000x64xf32>
    %get3A_7 = arith.constant 1 : index
    %get3A_8 = arith.constant 0 : index
    %get3A_9 = arith.constant 0 : index
    %get3A_10 = vector.load %arg1[%get3A_7, %get3A_8, %get3A_9] : memref<2x10240x128xf32, #tpu.memory_space<vmem>>, vector<1x10000x64xf32>
    %get3A_11 = vector.shape_cast %get3A_10 : vector<1x10000x64xf32> to vector<10000x64xf32>
    %add3A_12 = arith.addf %add3A, %get3A_11 : vector<10000x64xf32>
    %get3A_13 = arith.constant 0 : index
    %get3A_14 = vector.load %arg2[%get3A_13] : memref<64xf32, #tpu.memory_space<vmem>>, vector<64xf32>
    %broadcast_in_dim3A = vector.shape_cast %get3A_14 : vector<64xf32> to vector<1x64xf32>
    %add3A_15 = vector.broadcast %broadcast_in_dim3A : vector<1x64xf32> to vector<10000x64xf32>
    %add3A_16 = arith.addf %add3A_12, %add3A_15 : vector<10000x64xf32>
    %max3A = arith.constant 0.000000e+00 : f32
    %max3A_17 = vector.broadcast %max3A : f32 to vector<10000x64xf32>
    %max3A_18 = arith.maximumf %add3A_16, %max3A_17 : vector<10000x64xf32>
    %get3A_19 = arith.constant 0 : index
    %get3A_20 = arith.constant 0 : index
    %get3A_21 = vector.load %arg3[%get3A_19, %get3A_20] : memref<64x64xf32, #tpu.memory_space<vmem>>, vector<64x64xf32>
    %dot_general3A = arith.constant dense<0.000000e+00> : vector<10000x64xf32>
    %dot_general3A_22 = tpu.matmul %max3A_18, %get3A_21, %dot_general3A {dimension_numbers = #tpu.dot_dimension_numbers<[1], [0], [0], [1], [0, 0, 1, 1], [], []>, transpose_lhs_hint = false} : vector<10000x64xf32>, vector<64x64xf32>, vector<10000x64xf32> -> vector<10000x64xf32>
    %get3A_23 = arith.constant 0 : index
    %get3A_24 = vector.load %arg4[%get3A_23] : memref<64xf32, #tpu.memory_space<vmem>>, vector<64xf32>
    %broadcast_in_dim3A_25 = vector.shape_cast %get3A_24 : vector<64xf32> to vector<1x64xf32>
    %add3A_26 = vector.broadcast %broadcast_in_dim3A_25 : vector<1x64xf32> to vector<10000x64xf32>
    %add3A_27 = arith.addf %dot_general3A_22, %add3A_26 : vector<10000x64xf32>
    %max3A_28 = arith.constant 0.000000e+00 : f32
    %max3A_29 = vector.broadcast %max3A_28 : f32 to vector<10000x64xf32>
    %max3A_30 = arith.maximumf %add3A_27, %max3A_29 : vector<10000x64xf32>
    %reduce_sum3A = arith.constant dense<0.000000e+00> : vector<64xf32>
    %reduce_sum3A_31 = vector.multi_reduction <add>, %max3A_30, %reduce_sum3A [0] : vector<10000x64xf32> to vector<64xf32>
    %div3A = arith.constant 1.000000e+04 : f32
    %div3A_32 = vector.broadcast %div3A : f32 to vector<64xf32>
    %div3A_33 = arith.divf %reduce_sum3A_31, %div3A_32 : vector<64xf32>
    %broadcast_in_dim3A_34 = vector.shape_cast %div3A_33 : vector<64xf32> to vector<1x64xf32>
    %sub3A = vector.broadcast %broadcast_in_dim3A_34 : vector<1x64xf32> to vector<10000x64xf32>
    %sub3A_35 = arith.subf %max3A_30, %sub3A : vector<10000x64xf32>
    %integer_pow3A = arith.mulf %sub3A_35, %sub3A_35 : vector<10000x64xf32>
    %reduce_sum3A_36 = arith.constant dense<0.000000e+00> : vector<64xf32>
    %reduce_sum3A_37 = vector.multi_reduction <add>, %integer_pow3A, %reduce_sum3A_36 [0] : vector<10000x64xf32> to vector<64xf32>
    %div3A_38 = arith.constant 1.000000e+04 : f32
    %div3A_39 = vector.broadcast %div3A_38 : f32 to vector<64xf32>
    %div3A_40 = arith.divf %reduce_sum3A_37, %div3A_39 : vector<64xf32>
    %broadcast_in_dim3A_41 = vector.shape_cast %div3A_33 : vector<64xf32> to vector<1x64xf32>
    %sub3A_42 = vector.broadcast %broadcast_in_dim3A_41 : vector<1x64xf32> to vector<10000x64xf32>
    %sub3A_43 = arith.subf %max3A_30, %sub3A_42 : vector<10000x64xf32>
    %add3A_44 = arith.constant 9.99999974E-6 : f32
    %add3A_45 = vector.broadcast %add3A_44 : f32 to vector<64xf32>
    %add3A_46 = arith.addf %div3A_40, %add3A_45 : vector<64xf32>
    %sqrt3A = math.sqrt %add3A_46 : vector<64xf32>
    %broadcast_in_dim3A_47 = vector.shape_cast %sqrt3A : vector<64xf32> to vector<1x64xf32>
    %div3A_48 = vector.broadcast %broadcast_in_dim3A_47 : vector<1x64xf32> to vector<10000x64xf32>
    %div3A_49 = arith.divf %sub3A_43, %div3A_48 : vector<10000x64xf32>
    %get3A_50 = arith.constant 0 : index
    %get3A_51 = vector.load %arg5[%get3A_50] : memref<64xf32, #tpu.memory_space<vmem>>, vector<64xf32>
    %broadcast_in_dim3A_52 = vector.shape_cast %get3A_51 : vector<64xf32> to vector<1x64xf32>
    %mul3A = vector.broadcast %broadcast_in_dim3A_52 : vector<1x64xf32> to vector<10000x64xf32>
    %mul3A_53 = arith.mulf %div3A_49, %mul3A : vector<10000x64xf32>
    %get3A_54 = arith.constant 0 : index
    %get3A_55 = vector.load %arg6[%get3A_54] : memref<64xf32, #tpu.memory_space<vmem>>, vector<64xf32>
    %broadcast_in_dim3A_56 = vector.shape_cast %get3A_55 : vector<64xf32> to vector<1x64xf32>
    %add3A_57 = vector.broadcast %broadcast_in_dim3A_56 : vector<1x64xf32> to vector<10000x64xf32>
    %add3A_58 = arith.addf %mul3A_53, %add3A_57 : vector<10000x64xf32>
    %get3A_59 = arith.constant 0 : index
    %get3A_60 = arith.constant 0 : index
    %get3A_61 = vector.load %arg7[%get3A_59, %get3A_60] : memref<10000x1xi32, #tpu.memory_space<vmem>>, vector<10000x1xi32>
    %iota3A = tpu.iota {dimensions = array<i32: 1>} : vector<1x8xi32>
    %eq3A = vector.broadcast %get3A_61 : vector<10000x1xi32> to vector<10000x8xi32>
    %eq3A_62 = vector.broadcast %iota3A : vector<1x8xi32> to vector<10000x8xi32>
    %eq3A_63 = arith.cmpi eq, %eq3A, %eq3A_62 : vector<10000x8xi32>
    %convert_element_type3A = arith.extui %eq3A_63 : vector<10000x8xi1> to vector<10000x8xi32>
    %convert_element_type3A_64 = arith.sitofp %convert_element_type3A : vector<10000x8xi32> to vector<10000x8xf32>
    %dot_general3A_65 = arith.constant dense<0.000000e+00> : vector<8x64xf32>
    %dot_general3A_66 = tpu.matmul %convert_element_type3A_64, %add3A_58, %dot_general3A_65 {dimension_numbers = #tpu.dot_dimension_numbers<[0], [0], [1], [1], [0, 1, 1, 1], [], []>, transpose_lhs_hint = false} : vector<10000x8xf32>, vector<10000x64xf32>, vector<8x64xf32> -> vector<8x64xf32>
    %reduce_sum3A_67 = arith.constant dense<0.000000e+00> : vector<8xf32>
    %reduce_sum3A_68 = vector.multi_reduction <add>, %convert_element_type3A_64, %reduce_sum3A_67 [0] : vector<10000x8xf32> to vector<8xf32>
    %max3A_69 = arith.constant 1.000000e+00 : f32
    %max3A_70 = vector.broadcast %max3A_69 : f32 to vector<8xf32>
    %max3A_71 = arith.maximumf %reduce_sum3A_68, %max3A_70 : vector<8xf32>
    %broadcast_in_dim3A_72 = vector.shape_cast %max3A_71 : vector<8xf32> to vector<8x1xf32>
    %div3A_73 = vector.broadcast %broadcast_in_dim3A_72 : vector<8x1xf32> to vector<8x64xf32>
    %div3A_74 = arith.divf %dot_general3A_66, %div3A_73 : vector<8x64xf32>
    %swap3A = arith.constant 0 : index
    %swap3A_75 = arith.constant 0 : index
    %swap3A_76 = vector.load %arg8[%swap3A, %swap3A_75] : memref<8x64xf32, #tpu.memory_space<vmem>>, vector<8x64xf32>
    tpu.vector_store %arg8[%swap3A, %swap3A_75], %div3A_74 {strides = array<i32>} : memref<8x64xf32, #tpu.memory_space<vmem>>, vector<8x64xf32>,
    return
  }
}

</mosaic_0001>

<sc_bundles>
// kernel: kernel.6.cloned.1.call-start
scs
__scs_entry_jumppad:
0x0: {  	(pc) =	sbr.rel $0x88, $3  }
0x1: {  	(tag) =	ssettag $0x0;
	lr =	simm.s32 $0x1  }
0x2: {  	[smem:$0x3F92] =	sst lr;
	_ =	strace $0xD0000000  }
0x3: {  	_ = 	snop  }
0x4: {  	_ = 	snop  }
0x5: {  	_ = 	snop  }
0x6: {  	_ = 	snop  }
0x7: {  	_ = 	snop  }
__scs_overlays_trampoline_lowered:
0x8: {  	[smem:$0x3FA1] =	sst s0  }
0x9: {  	[smem:$0x3FA2] =	sst s1  }
0xa: {  	[smem:$0x3FA3] =	sst s2  }
0xb: {  	[smem:$0x3FA4] =	sst s3  }
0xc: {  	[smem:$0x3FA5] =	sst s4  }
0xd: {  	[smem:$0x3FA6] =	sst s5  }
0xe: {  	[smem:$0x3FA7] =	sst s6  }
0xf: {  	[smem:$0x3FA8] =	sst s7  }
0x10: {  	[smem:$0x3FA9] =	sst s8  }
0x11: {  	[smem:$0x3FAA] =	sst s9;
	s0 =	simm.s32 @!p0 $0x0  }
0x12: {  	s1 =	sld [smem:$0x3F90];
	s0 =	simm.s32 @p0 $0x1  }
0x13: {  	[smem:$0x3FAB] =	sst s0;
	s0 =	simm.s32 @!p1 $0x0  }
0x14: {  	s2 =	sld [smem:$0x3F8F];
	s0 =	simm.s32 @p1 $0x1  }
0x15: {  	[smem:$0x3FAC] =	sst s0;
	s0 =	simm.s32 @!p2 $0x0  }
0x16: {  	s3 =	sld [smem:$0x3FDB];
	s0 =	simm.s32 @p2 $0x1  }
0x17: {  	s4 =	simm.s32 $0x1BF5;
	[smem:$0x3FAE] =	sst s0  }
0x18: {  	s0 =	sld [smem:$0x3F91];
	_ =	swait.ge [sflag:s4], $0x0  }
0x19: {  	s7 =	sld [smem:$0x3F92]  }
0x1a: {  	s8 =	sadd.s32 $0xFFFFE003, lr  }
0x1b: {  	s9 =	sadd.s32 $0xFFFFFEF7, lr;
	s5 =	simm.s32 $0xFFFFFFFF;
	p2 =	slt.u32 s8, $0xFFFFF086  }
0x1c: {  	p1 =	slt.u32 s9, $0xF7A;
	s5 =	simm.s32 @!p2 $0x0  }
0x1d: {  	s5 =	simm.s32 @p1 $0x1;
	p0 =	seq.s32 s7, s2  }
0x1e: {  	s7 =	smul.u32 @!p0 $0xF7A, s2;
	p2 =	seq.s32 @!p0 s5, $0x0  }
0x1f: {  	s9 =	smul.u32 $0xF7A, s1;
	s8 =	simm.s32 @!p0 $0x1BF5;
	p2 =	por !p2, p0  }
0x20: {  	[sflag:s8] =	ssyncset.s32 @!p0 $0xFFFFF086;
	s6 =	sadd.s32 @!p0 s3, s7;
	s7 =	simm.s32 @!p0 $0x108  }
0x21: {  	s3 =	sadd.s32 s3, s9;
	s6 =	sadd.s32 @!p0 $0x88, s6;
	s7 =	simm.s32 @p2 $0x1082  }
0x22: {  	[simem:s7], [sflag:s8] =	dma.local @!p0 [hbm:s6], $0xF7A  }
0x23: {  	s9 =	sor.u32 $0xD0000000, s2;
	s6 =	simm.s32 $0x108;
	_ =	swait.ge @!p0 [sflag:s8], $0x0  }
0x24: {  	s3 =	sadd.s32 $0x88, s3;
	s6 =	simm.s32 @!p1 $0x1082;
	[sflag:s4] =	ssyncset.s32 $0xFFFFF086  }
0x25: {  	[simem:s6], [sflag:s4] =	dma.local [hbm:s3], $0xF7A  }
0x26: {  	[smem:$0x3F92] =	sst s1;
	(tag) =	ssettag s2;
	_ =	strace s9  }
0x27: {  	s1 =	sld [smem:$0x3FA2]  }
0x28: {  	s2 =	sld [smem:$0x3FA3]  }
0x29: {  	s4 =	sld [smem:$0x3FA5]  }
0x2a: {  	p0 =	seq.s32 s5, $0x0;
	s5 =	sld [smem:$0x3FA6]  }
0x2b: {  	s6 =	sld [smem:$0x3FA7]  }
0x2c: {  	s7 =	sld [smem:$0x3FA8]  }
0x2d: {  	s3 =	simm.s32 $0x108;
	s8 =	sld [smem:$0x3FA9]  }
0x2e: {  	s3 =	simm.s32 @!p0 $0x1082;
	s9 =	sld [smem:$0x3FAA]  }
0x2f: {  	lr =	sadd.s32 s0, s3;
	s0 =	sld [smem:$0x3FA1]  }
0x30: {  	s3 =	sld [smem:$0x3FA4]  }
0x31: {  	[smem:$0x3FAD] =	sst s10  }
0x32: {  	s10 =	sld [smem:$0x3FAB];
	_ =	sdelay $0x3  }
0x33: {  	p0 =	seq.s32 s10, $0x1;
	s10 =	sld [smem:$0x3FAD];
	_ =	sdelay $0x3  }
0x34: {  	[smem:$0x3FAD] =	sst s10  }
0x35: {  	s10 =	sld [smem:$0x3FAC];
	_ =	sdelay $0x3  }
0x36: {  	p1 =	seq.s32 s10, $0x1;
	s10 =	sld [smem:$0x3FAD];
	_ =	sdelay $0x3  }
0x37: {  	[smem:$0x3FAD] =	sst s10  }
0x38: {  	s10 =	sld [smem:$0x3FAE]  }
0x39: {  	_ = 	snop;
	(pc) =	sbr.ind lr, $3  }
0x3a: {  	_ = 	snop  }
0x3b: {  	_ = 	snop  }
0x3c: {  	p2 =	seq.s32 s10, $0x1;
	s10 =	sld [smem:$0x3FAD]  }
0x3d: {  	_ =	shalt  }
0x3e: {  	_ =	shalt  }
0x3f: {  	_ =	shalt  }
0x40: {  	_ =	shalt  }
0x41: {  	_ =	shalt  }
0x42: {  	_ =	shalt  }
0x43: {  	_ =	shalt  }
0x44: {  	_ =	shalt  }
0x45: {  	_ =	shalt  }
0x46: {  	_ =	shalt  }
0x47: {  	_ =	shalt  }
0x48: {  	_ =	shalt  }
0x49: {  	_ =	shalt  }
0x4a: {  	_ =	shalt  }
0x4b: {  	_ =	shalt  }
0x4c: {  	_ =	shalt  }
0x4d: {  	_ =	shalt  }
0x4e: {  	_ =	shalt  }
0x4f: {  	_ =	shalt  }
0x50: {  	_ =	shalt  }
0x51: {  	_ =	shalt  }
0x52: {  	_ =	shalt  }
0x53: {  	_ =	shalt  }
0x54: {  	_ =	shalt  }
0x55: {  	_ =	shalt  }
0x56: {  	_ =	shalt  }
0x57: {  	_ =	shalt  }
0x58: {  	_ =	shalt  }
0x59: {  	_ =	shalt  }
0x5a: {  	_ =	shalt  }
0x5b: {  	_ =	shalt  }
0x5c: {  	_ =	shalt  }
0x5d: {  	_ =	shalt  }
0x5e: {  	_ =	shalt  }
0x5f: {  	_ =	shalt  }
0x60: {  	_ =	shalt  }
0x61: {  	_ =	shalt  }
0x62: {  	_ =	shalt  }
0x63: {  	_ =	shalt  }
0x64: {  	_ =	shalt  }
0x65: {  	_ =	shalt  }
0x66: {  	_ =	shalt  }
0x67: {  	_ =	shalt  }
0x68: {  	_ =	shalt  }
0x69: {  	_ =	shalt  }
0x6a: {  	_ =	shalt  }
0x6b: {  	_ =	shalt  }
0x6c: {  	_ =	shalt  }
0x6d: {  	_ =	shalt  }
0x6e: {  	_ =	shalt  }
0x6f: {  	_ =	shalt  }
0x70: {  	_ =	shalt  }
0x71: {  	_ =	shalt  }
0x72: {  	_ =	shalt  }
0x73: {  	_ =	shalt  }
0x74: {  	_ =	shalt  }
0x75: {  	_ =	shalt  }
0x76: {  	_ =	shalt  }
0x77: {  	_ =	shalt  }
0x78: {  	_ =	shalt  }
0x79: {  	_ =	shalt  }
0x7a: {  	_ =	shalt  }
0x7b: {  	_ =	shalt  }
0x7c: {  	_ =	shalt  }
0x7d: {  	_ =	shalt  }
0x7e: {  	_ =	shalt  }
0x7f: {  	_ =	shalt  }
0x80: {  	_ =	shalt  }
0x81: {  	_ =	shalt  }
0x82: {  	_ =	shalt  }
0x83: {  	_ =	shalt  }
0x84: {  	_ =	shalt  }
0x85: {  	_ =	shalt  }
0x86: {  	_ =	shalt  }
0x87: {  	_ =	shalt  }
.Lfunc_end0:
.L_simem_size_0:
called_computation_lowered:
.L_overlay_start_0:
0x88: {  	s2 =	sld [smem:$0x3FD9]  }
0x89: {  	s3 =	sld [smem:$0x3FFE];
	_ =	sdelay $0x1  }
0x8a: {  	s1 =	srdreg.scid  }
0x8b: {  	s0 =	sand.u32 $0x1, s1  }
0x8c: {  	s17 =	sshll.u32 s0, $0xA;
	s2 =	sadd.s32 s3, s2  }
0x8d: {  	s2 =	sadd.s32 s2, s17  }
0x8e: {  	[smem:$0x3FB9] =	sst s2  }
0x8f: {  	_ = 	snop  }
0x90: {  	s2 =	sld [smem:$0x3FC9];
	(tm) =	ssettm $0x1  }
0x91: {  	s18 =	sld [smem:$0x3FFB];
	_ =	sdelay $0x3  }
0x92: {  	_ =	strace s18  }
0x93: {  	s3 =	sld [smem:$0x3FFC];
	_ =	sdelay $0x3  }
0x94: {  	_ =	strace s3  }
0x95: {  	s3 =	sld [smem:$0x3FFD];
	_ =	sdelay $0x3  }
0x96: {  	_ =	strace s3  }
0x97: {  	_ =	strace $0x8FFFFFFF  }
0x98: {  	s19 =	sld [smem:$0x3FDB];
	_ =	sdelay $0x1  }
0x99: {  	s4 =	simm.s32 $_scs_section_size  }
0x9a: {  	s5 =	simm.s32 $_size__tile_overlayer_lowered;
	s6 =	simm.s32 $_tile_overlayer_lowered  }
0x9b: {  	s22 =	simm.s32 $0x1BFF;
	s21 =	sshll.u32 s6, $0x1;
	s3 =	sadd.s32 s4, s19  }
0x9c: {  	s7 =	simm.s32 $0x0;
	s20 =	sshll.u32 s5, $0x1;
	s5 =	sadd.s32 s21, s3  }
0x9d: {  	[timem:s7], [sflag:s22] =	dma.local [hbm:s5], s20  }
0x9e: {  	_ =	swait.ge [sflag:s22], s20  }
0x9f: {  	s4 =	ssub.s32 $0x0, s20;
	[sflag:s22] =	ssyncset.done $0x0  }
0xa0: {  	[sflag:s22] =	ssyncadd.s32 s4;
	_ =	sdelay $0x1  }
0xa1: {  	s23 =	simm.s32 $0x1B8B  }
0xa2: {  	_ =	swait.ge [sflag:s23], $0x1  }
0xa3: {  	[sflag:s23] =	ssyncset.done $0x0  }
0xa4: {  	s25 =	simm.s32 $0x1B8E;
	s24 =	sld [smem:$0x3FFE];
	[sflag:s23] =	ssyncadd.s32 $0xFFFFFFFF  }
0xa5: {  	s26 =	simm.s32 $execute0_lowered;
	[smem:$0x3FD2] =	sst s25  }
0xa6: {  	s5 =	sshll.u32 s26, $0x1;
	_ =	strace $0x80000046;
	[dreg:$0x1] =	wrdreg $0xFFFFFFFF  }
0xa7: {  	s28 =	simm.s32 $_size_execute0_lowered;
	s3 =	sadd.s32 s3, s5;
	[dreg:$0x0] =	wrdreg $0x0  }
0xa8: {  	s5 =	sshll.u32 s28, $0x1;
	[dreg:$0x2] =	wrdreg s3  }
0xa9: {  	[dreg:$0x3] =	wrdreg s5  }
0xaa: {  	[dreg:$0x4] =	wrdreg $0xC0  }
0xab: {  	_ =	task [dreg:s7], $0x5FFFF  }
0xac: {  	[dreg:$0x1] =	wrdreg $0xFFFFFFFF  }
0xad: {  	[dreg:$0x0] =	wrdreg $0x60  }
0xae: {  	[dreg:$0x2] =	wrdreg s2  }
0xaf: {  	[dreg:$0x3] =	wrdreg s24  }
0xb0: {  	[dreg:$0x4] =	wrdreg $0xB7800  }
0xb1: {  	[dreg:$0x5] =	wrdreg $0x9  }
0xb2: {  	_ =	task.clear_ibuf [dreg:s7], $0x6FFFF;
	_ =	strace $0x90000046  }
0xb3: {  	s29 =	simm.s32 $0x9;
	_ =	strace $0x80000048  }
0xb4: {  	_ =	swait.ge [sflag:s29], $0x1  }
0xb5: {  	[sflag:s29] =	ssyncadd.s32 $0xFFFFFFFF  }
0xb6: {  	_ =	strace $0x90000048  }
0xb7: {  	_ =	sfence  }
0xb8: {  	s30 =	sld [smem:$0x0];
	_ =	sdelay $0x2  }
0xb9: {  	s31 =	sshll.u32 s1, $0xD;
	s1 =	sshrl.u32 s1, $0x2  }
0xba: {  	s3 =	sand.u32 $0x4000, s31;
	s1 =	sadd.s32 s1, s30  }
0xbb: {  	s0 =	sor.u32 s3, s0;
	s1 =	sshll.u32 s1, $0x11  }
0xbc: {  	s0 =	sor.u32 s1, s0  }
0xbd: {  	s0 =	sadd.s32 $0x8F2B, s0  }
0xbe: {  	[sflag:s0] =	ssyncadd.remote.s32 $0x1  }
0xbf: {  	_ =	sfence.sel $0xFFFF  }
0xc0: {  	[dreg:$0x0] =	wrdreg $0xFFFFFFFF;
	(pc) =	sbr.abs _section_cstart, $3  }
0xc1: {  	[dreg:$0x1] =	wrdreg $0xFFFFFFFF  }
0xc2: {  	_ =	task.clear_ibuf [dreg:s7], $0x2FFFF;
	_ =	strace $0x9FFFFFFF  }
0xc3: {  	(tm) =	ssettm $0x7FFFFFFF  }
tec
execute0_lowered:
.L_overlay_start_1:
0x0: {  	(tag) =	ssettag $0x1  }
0x1: {  	s1 =	rddreg [dreg:$0x0]  }
0x2: {  	s5 =	rddreg [dreg:$0x1]  }
0x3: {  	s6 =	rddreg [dreg:$0x2]  }
0x4: {  	s2 =	srdreg.scid;
	s0 =	rddreg [dreg:$0x3]  }
0x5: {  	s3 =	simm.s32 $0x0;
	s16 =	simm.s32 $0x50;
	s7 =	sand.u32 $0x1, s2  }
0x6: {  	s17 =	simm.s32 $0x6780;
	s2 =	stileid.u32;
	s8 =	smul.u32 $0x27100, s7  }
0x7: {  	s18 =	simm.s32 $0x8F80;
	s19 =	simm.s32 $0x2;
	s9 =	smul.u32 $0x2710, s2  }
0x8: {  	s20 =	simm.s32 $0x26C0;
	s21 =	simm.s32 $0x0;
	s25 =	smul.u32 $0x14000, s2  }
0x9: {  	[smem:$0x7FF] =	sst s3;
	s4 =	sshll.u32 s7, $0x4;
	s11 =	smul.u32 $0x140000, s7  }
0xa: {  	s7 =	ssub.s32 $0x2, s7;
	s30 =	smul.u32 $0x50000, s2;
	s4 =	sor.u32 s2, s4  }
0xb: {  	_ =	strace $0x80000047;
	s13 =	sshrl.u32 s7, $0x1;
	s10 =	smul.u32 $0x2710, s4  }
0xc: {  	s4 =	sadd.s32 s9, s8;
	s29 =	sshrl.u32 s25, $0x3;
	s8 =	sadd.s32 s25, s11  }
0xd: {  	s13 =	ssub.s32 s7, s13;
	s31 =	sshrl.u32 s30, $0x2;
	s28 =	sshrl.u32 s4, $0x3  }
0xe: {  	s8 =	sshrl.u32 s8, $0x3;
	s15 =	sadd.s32 s31, s6;
	s6 =	sshll.u32 s2, $0x6  }
0xf: {  	s26 =	sshrl.u32 s10, $0x3;
	s12 =	sadd.s32 s28, s5;
	s10 =	sadd.s32 s29, s5  }
0x10: {  	s14 =	sadd.s32 s8, s5;
	s7 =	sor.u32 $0x1C03, s6;
	s9 =	sadd.s32 s26, s5  }
0x11: {  	s5 =	sadd.s32 $0x16600, s10;
	s10 =	smax.u32 s13, $0x1;
	s11 =	sadd.s32 $0x2A00, s12  }
0x12: {  	s12 =	sshrl.u32 s15, $0x3;
	s13 =	simm.s32 $0x4;
	s15 =	simm.s32 $0x3  }
0x13: {  	s8 =	sadd.s32 $0xC800, s9;
	s9 =	sadd.s32 $0x3E600, s14;
	s14 =	simm.s32 $0x1  }
.LBB2_1:
0x14: {  	[spmem:s12], [sflag:s7] =	dma.local [hbm:s5], $0x2800  }
0x15: {  	[tilespmem:s3], [sflag:$0x4] =	stream.linear.gather [hbm4b:s8+s3], $0x2710, $0x38;
	[tilespmem:$0x1F780] =	vst v63  }
0x16: {  	_ =	swait.ge [sflag:s13], $0x2710  }
0x17: {  	[sflag:s13] =	ssyncset.done $0x0  }
0x18: {  	s22 =	simm.s32 $0x2780;
	s23 =	simm.s32 $0x0;
	[sflag:s13] =	ssyncadd.s32 $0xFFFFD8F0  }
.LBB2_2:
0x19: {  	p0 =	sne.s32 s23, $0x4D8  }
.Ltmp0:
0x1a: {  	_ = 	snop;
	(pc) =	sbr.rel @p0 .LBB2_2-.Ltmp0, $4  }
0x1b: {  	_ = 	snop  }
0x1c: {  	s24 =	sadd.s32 s23, s11  }
0x1d: {  	[tilespmem:s22], [sflag:$0x1] =	stream.linear.gather [hbm4b:s24+s3], $0x50, $0x38;
	[tilespmem:$0x1F780] =	vst v63  }
0x1e: {  	s23 =	sadd.s32 $0xA, s23;
	s22 =	sadd.s32 $0x80, s22  }
0x1f: {  	s22 =	simm.s32 $0x7D  }
.LBB2_4:
0x20: {  	p0 =	sne.s32 s22, $0x1  }
.Ltmp1:
0x21: {  	_ = 	snop;
	(pc) =	sbr.rel @p0 .LBB2_4-.Ltmp1, $4  }
0x22: {  	_ = 	snop  }
0x23: {  	_ =	swait.ge [sflag:s14], $0x50  }
0x24: {  	[sflag:s14] =	ssyncset.done $0x0  }
0x25: {  	s22 =	sadd.s32 $0xFFFFFFFF, s22;
	[sflag:s14] =	ssyncadd.s32 $0xFFFFFFB0  }
0x26: {  	s22 =	simm.s32 $0x27A0  }
0x27: {  	s23 =	simm.s32 $0x20;
	s26 =	sadd.s32 $0x0, s4;
	s24 =	simm.s32 $0x50;
	v0 =	vld [tilespmem:s22+$0xFFFFFFE0]  }
.LBB2_6:
0x28: {  	p0 =	sne.s32 s24, $0x26C0;
	s26 =	smulhi.u32 $0xD1B71759, s26;
	v1 =	vld [tilespmem:s23+$0xFFFFFFE0];
	s25 =	smov.u32 s22  }
0x29: {  	_ = 	snop  }
0x2a: {  	s26 =	sshrl.u32 s26, $0xF  }
0x2b: {  	s26 =	smul.u32 $0x4E2, s26;
	_ =	sdelay $0x1  }
0x2c: {  	vm0 =	vge.s32 v1, s26;
	vm1 =	vge.s32 v0, s26  }
0x2d: {  	vm0 =	vmand vm0, vm1  }
0x2e: {  	v0 =	vnsel vm0, $0x2710, v0  }
0x2f: {  	[tilespmem:s22+$0xFFFFFFE0] =	vst v0;
	v0 =	vld [tilespmem:s22+$0xFFFFFFF0]  }
0x30: {  	v1 =	vld [tilespmem:s23+$0xFFFFFFF0];
	_ =	sdelay $0x4  }
0x31: {  	vm1 =	vge.s32 v0, s26;
	vm0 =	vge.s32 v1, s26  }
0x32: {  	vm0 =	vmand vm0, vm1  }
0x33: {  	v0 =	vnsel vm0, $0x2710, v0  }
0x34: {  	[tilespmem:s22+$0xFFFFFFF0] =	vst v0;
	v0 =	vld [tilespmem:s22+$0x0]  }
0x35: {  	v1 =	vld [tilespmem:s23+$0x0];
	_ =	sdelay $0x4  }
0x36: {  	vm1 =	vge.s32 v0, s26;
	vm0 =	vge.s32 v1, s26  }
0x37: {  	vm0 =	vmand vm0, vm1  }
0x38: {  	v0 =	vnsel vm0, $0x2710, v0  }
0x39: {  	[tilespmem:s22+$0x0] =	vst v0;
	v0 =	vld [tilespmem:s22+$0x10]  }
0x3a: {  	v1 =	vld [tilespmem:s23+$0x10];
	_ =	sdelay $0x4  }
0x3b: {  	vm1 =	vge.s32 v0, s26;
	vm0 =	vge.s32 v1, s26  }
0x3c: {  	vm0 =	vmand vm0, vm1  }
0x3d: {  	v0 =	vnsel vm0, $0x2710, v0  }
0x3e: {  	[tilespmem:s22+$0x10] =	vst v0;
	v0 =	vld [tilespmem:s22+$0x20]  }
0x3f: {  	v1 =	vld [tilespmem:s23+$0x20];
	_ =	sdelay $0x3  }
.Ltmp2:
0x40: {  	(pc) =	sbr.rel @p0 .LBB2_6-.Ltmp2, $4  }
0x41: {  	vm1 =	vge.s32 v0, s26;
	vm0 =	vge.s32 v1, s26  }
0x42: {  	vm0 =	vmand vm0, vm1  }
0x43: {  	s22 =	sadd.s32 $0x80, s22;
	v1 =	vnsel vm0, $0x2710, v0  }
0x44: {  	s23 =	sadd.s32 $0x50, s23;
	s26 =	sadd.s32 s24, s4;
	s24 =	sadd.s32 $0x50, s24;
	v0 =	vld [tilespmem:s22+$0xFFFFFFE0];
	[tilespmem:s25+$0x20] =	vst v1  }
0x45: {  	s24 =	smulhi.u32 $0xD1B71759, s26;
	v1 =	vld [tilespmem:s23+$0xFFFFFFE0];
	_ =	sdelay $0x1  }
0x46: {  	s24 =	sshrl.u32 s24, $0xF  }
0x47: {  	s24 =	smul.u32 $0x4E2, s24;
	_ =	sdelay $0x1  }
0x48: {  	vm0 =	vge.s32 v1, s24;
	vm1 =	vge.s32 v0, s24  }
0x49: {  	vm0 =	vmand vm0, vm1  }
0x4a: {  	v55 =	vnsel vm0, $0x2710, v0  }
0x4b: {  	v56 =	vld [tilespmem:s22+$0xFFFFFFF0];
	[tilespmem:s22+$0xFFFFFFE0] =	vst v55  }
0x4c: {  	v57 =	vld [tilespmem:s23+$0xFFFFFFF0];
	_ =	sdelay $0x4  }
0x4d: {  	vm9 =	vge.s32 v56, s24;
	vm8 =	vge.s32 v57, s24  }
0x4e: {  	vm0 =	vmand vm8, vm9  }
0x4f: {  	v0 =	vnsel vm0, $0x2710, v56  }
0x50: {  	v58 =	vld [tilespmem:s22+$0x0];
	[tilespmem:s22+$0xFFFFFFF0] =	vst v0  }
0x51: {  	v59 =	vld [tilespmem:s23+$0x0];
	_ =	sdelay $0x4  }
0x52: {  	vm11 =	vge.s32 v58, s24;
	vm10 =	vge.s32 v59, s24  }
0x53: {  	vm0 =	vmand vm10, vm11  }
0x54: {  	v0 =	vnsel vm0, $0x2710, v58  }
0x55: {  	v60 =	vld [tilespmem:s22+$0x10];
	[tilespmem:s22+$0x0] =	vst v0  }
0x56: {  	v61 =	vld [tilespmem:s23+$0x10];
	_ =	sdelay $0x4  }
0x57: {  	vm13 =	vge.s32 v60, s24;
	vm12 =	vge.s32 v61, s24  }
0x58: {  	vm0 =	vmand vm12, vm13  }
0x59: {  	v0 =	vnsel vm0, $0x2710, v60  }
0x5a: {  	v62 =	vld [tilespmem:s22+$0x20];
	[tilespmem:s22+$0x10] =	vst v0  }
0x5b: {  	v63 =	vld [tilespmem:s23+$0x20];
	_ =	sdelay $0x4  }
0x5c: {  	vm15 =	vge.s32 v62, s24;
	vm14 =	vge.s32 v63, s24  }
0x5d: {  	vm0 =	vmand vm14, vm15  }
0x5e: {  	v0 =	vnsel vm0, $0x2710, v62  }
0x5f: {  	[tilespmem:s22+$0x20] =	vst v0  }
0x60: {  	_ =	swait.ge [sflag:s15], $0x2800  }
0x61: {  	[sflag:s15] =	ssyncset.done $0x0  }
0x62: {  	[sflag:s15] =	ssyncadd.s32 $0xFFFFD800  }
0x63: {  	[bflag:$0x0] =	sbarrier.arrive $0xFFFF  }
0x64: {  	[tilespmem:s17], [sflag:$0x1] =	stream.indirect.gather [hbm4b:s1+s16], $0x80, s3, s16, $0xb8;
	[tilespmem:$0x1F780] =	vst v63  }
0x65: {  	_ = 	snop  }
0x66: {  	[tilespmem:s18], [sflag:$0x2] =	stream.indirect.gather [hbm4b:s1+s16], $0x80, s16, s16, $0xb8;
	[tilespmem:$0x1F780] =	vst v63  }
0x67: {  	_ =	swait.ge [sflag:s14], $0x2800  }
0x68: {  	[sflag:s14] =	ssyncset.done $0x0  }
0x69: {  	s31 =	simm.s32 $0xA0;
	[sflag:s14] =	ssyncadd.s32 $0xFFFFD800  }
0x6a: {  	[tilespmem:s17], [sflag:$0x1] =	stream.indirect.gather [hbm4b:s1+s16], $0x80, s31, s16, $0xb8;
	[tilespmem:$0x1F780] =	vst v63  }
0x6b: {  	_ =	swait.ge [sflag:s19], $0x2800  }
0x6c: {  	[sflag:s19] =	ssyncset.done $0x0  }
0x6d: {  	s23 =	simm.s32 $0xF0;
	s22 =	simm.s32 $0xFFFF6A00;
	[sflag:s19] =	ssyncadd.s32 $0xFFFFD800  }
.LBB2_8:
0x6e: {  	[tilespmem:s18], [sflag:$0x2] =	stream.indirect.gather [hbm4b:s1+s16], $0x80, s23, s16, $0xb8;
	[tilespmem:$0x1F780] =	vst v63  }
0x6f: {  	s23 =	smov.u32 s22  }
0x70: {  	p0 =	sne.s32 s22, $0xFFFFFD80;
	s22 =	sadd.s32 $0x280, s22;
	_ =	swait.ge [sflag:s14], $0x2800  }
0x71: {  	s23 =	sshra.s32 s23, $0x2;
	[sflag:s14] =	ssyncset.done $0x0  }
.Ltmp3:
0x72: {  	s24 =	sadd.s32 $0x26C0, s23;
	[sflag:s14] =	ssyncadd.s32 $0xFFFFD800;
	(pc) =	sbr.rel @p0 .LBB2_8-.Ltmp3, $4  }
0x73: {  	[tilespmem:s17], [sflag:$0x1] =	stream.indirect.gather [hbm4b:s1+s16], $0x80, s24, s16, $0xb8;
	[tilespmem:$0x1F780] =	vst v63  }
0x74: {  	_ =	swait.ge [sflag:s19], $0x2800  }
0x75: {  	[sflag:s19] =	ssyncset.done $0x0  }
0x76: {  	s23 =	sadd.s32 $0x2710, s23;
	[sflag:s19] =	ssyncadd.s32 $0xFFFFD800  }
0x77: {  	[tilespmem:s18], [sflag:$0x2] =	stream.indirect.gather [hbm4b:s1+s16], $0x80, s23, s16, $0xb8;
	[tilespmem:$0x1F780] =	vst v63  }
0x78: {  	_ =	swait.ge [sflag:s14], $0x2800  }
0x79: {  	[sflag:s14] =	ssyncset.done $0x0  }
0x7a: {  	[sflag:s14] =	ssyncadd.s32 $0xFFFFD800  }
0x7b: {  	[tilespmem:s17], [sflag:$0x1] =	stream.indirect.gather [hbm4b:s1+s16], $0x80, s20, s16, $0xb8;
	[tilespmem:$0x1F780] =	vst v63  }
0x7c: {  	_ =	swait.ge [sflag:s19], $0x2800  }
0x7d: {  	[sflag:s19] =	ssyncset.done $0x0  }
0x7e: {  	[sflag:s19] =	ssyncadd.s32 $0xFFFFD800  }
0x7f: {  	_ =	swait.ge [sflag:s14], $0x2800  }
0x80: {  	s21 =	sadd.s32 $0x1, s21;
	[sflag:s14] =	ssyncset.done $0x0  }
0x81: {  	p0 =	sne.s32 s21, s10;
	[sflag:s14] =	ssyncadd.s32 $0xFFFFD800  }
.Ltmp4:
0x82: {  	s22 =	sor.u32 $0x1C04, s6;
	[bflag:$0x0] =	sbarrier.arrive $0xFFFF;
	(pc) =	sbr.rel @p0 .LBB2_1-.Ltmp4, $4  }
0x83: {  	[hbm:s9], [sflag:s22] =	dma.local [spmem:s12], $0x2800  }
0x84: {  	_ =	swait.ge [sflag:s13], $0x2800  }
0x85: {  	[sflag:s13] =	ssyncset.done $0x0  }
0x86: {  	[sflag:s13] =	ssyncadd.s32 $0xFFFFD800  }
0x87: {  	_ =	sfence.sel $0x180000  }
0x88: {  	[bflag:$0x0] =	sbarrier.arrive $0xFFFF  }
0x89: {  	p0 =	sne.s32 s2, $0x0;
	_ =	strace $0x90000047  }
0x8a: {  	s0 =	sadd.s32 @!p0 $0x100000, s0;
	[bflag:$0x2] =	sbarrier.arrive $0xFFFF  }
0x8b: {  	[sflag:s0] =	ssyncadd.tile.s32 @!p0 $0x1;
	_ =	shalt  }
.Lfunc_end2:
_tile_overlayer_lowered:
.L_overlay_start_2:
0x8c: {  	(tag) =	ssettag $0x2  }
0x8d: {  	s0 =	rddreg [dreg:$0x0];
	s2 =	stileid.u32  }
0x8e: {  	s1 =	rddreg [dreg:$0x1];
	p0 =	sne.s32 s2, $0x0  }
0x8f: {  	s3 =	rddreg [dreg:$0x2];
	[bflag:$0x3] =	sbarrier.arrive $0xFFFF;
	s2 =	simm.s32 @!p0 $0x1C04  }
0x90: {  	[timem:s3], [sflag:s2] =	dma.local @!p0 [hbm:s0], s1  }
0x91: {  	s0 =	simm.s32 @!p0 $0x4  }
0x92: {  	_ =	swait.ge @!p0 [sflag:s0], s1  }
0x93: {  	s1 =	ssub.s32 @!p0 $0x0, s1;
	[sflag:s0] =	ssyncset.done @!p0 $0x0  }
0x94: {  	[sflag:s0] =	ssyncadd.s32 @!p0 s1  }
0x95: {  	[bflag:$0x3] =	sbarrier.arrive $0xFFFF  }
0x96: {  	_ =	shalt  }

// kernel: kernel.9.cloned.1.call-start
scs
__scs_entry_jumppad:
0x0: {  	(pc) =	sbr.rel $0x88, $3  }
0x1: {  	(tag) =	ssettag $0x0;
	lr =	simm.s32 $0x1  }
0x2: {  	[smem:$0x3F92] =	sst lr;
	_ =	strace $0xD0000000  }
0x3: {  	_ = 	snop  }
0x4: {  	_ = 	snop  }
0x5: {  	_ = 	snop  }
0x6: {  	_ = 	snop  }
0x7: {  	_ = 	snop  }
__scs_overlays_trampoline_lowered:
0x8: {  	[smem:$0x3FA1] =	sst s0  }
0x9: {  	[smem:$0x3FA2] =	sst s1  }
0xa: {  	[smem:$0x3FA3] =	sst s2  }
0xb: {  	[smem:$0x3FA4] =	sst s3  }
0xc: {  	[smem:$0x3FA5] =	sst s4  }
0xd: {  	[smem:$0x3FA6] =	sst s5  }
0xe: {  	[smem:$0x3FA7] =	sst s6  }
0xf: {  	[smem:$0x3FA8] =	sst s7  }
0x10: {  	[smem:$0x3FA9] =	sst s8  }
0x11: {  	[smem:$0x3FAA] =	sst s9;
	s0 =	simm.s32 @!p0 $0x0  }
0x12: {  	s1 =	sld [smem:$0x3F90];
	s0 =	simm.s32 @p0 $0x1  }
0x13: {  	[smem:$0x3FAB] =	sst s0;
	s0 =	simm.s32 @!p1 $0x0  }
0x14: {  	s2 =	sld [smem:$0x3F8F];
	s0 =	simm.s32 @p1 $0x1  }
0x15: {  	[smem:$0x3FAC] =	sst s0;
	s0 =	simm.s32 @!p2 $0x0  }
0x16: {  	s3 =	sld [smem:$0x3FDB];
	s0 =	simm.s32 @p2 $0x1  }
0x17: {  	s4 =	simm.s32 $0x1BF5;
	[smem:$0x3FAE] =	sst s0  }
0x18: {  	s0 =	sld [smem:$0x3F91];
	_ =	swait.ge [sflag:s4], $0x0  }
0x19: {  	s7 =	sld [smem:$0x3F92]  }
0x1a: {  	s8 =	sadd.s32 $0xFFFFE003, lr  }
0x1b: {  	s9 =	sadd.s32 $0xFFFFFEF7, lr;
	s5 =	simm.s32 $0xFFFFFFFF;
	p2 =	slt.u32 s8, $0xFFFFF086  }
0x1c: {  	p1 =	slt.u32 s9, $0xF7A;
	s5 =	simm.s32 @!p2 $0x0  }
0x1d: {  	s5 =	simm.s32 @p1 $0x1;
	p0 =	seq.s32 s7, s2  }
0x1e: {  	s7 =	smul.u32 @!p0 $0xF7A, s2;
	p2 =	seq.s32 @!p0 s5, $0x0  }
0x1f: {  	s9 =	smul.u32 $0xF7A, s1;
	s8 =	simm.s32 @!p0 $0x1BF5;
	p2 =	por !p2, p0  }
0x20: {  	[sflag:s8] =	ssyncset.s32 @!p0 $0xFFFFF086;
	s6 =	sadd.s32 @!p0 s3, s7;
	s7 =	simm.s32 @!p0 $0x108  }
0x21: {  	s3 =	sadd.s32 s3, s9;
	s6 =	sadd.s32 @!p0 $0x88, s6;
	s7 =	simm.s32 @p2 $0x1082  }
0x22: {  	[simem:s7], [sflag:s8] =	dma.local @!p0 [hbm:s6], $0xF7A  }
0x23: {  	s9 =	sor.u32 $0xD0000000, s2;
	s6 =	simm.s32 $0x108;
	_ =	swait.ge @!p0 [sflag:s8], $0x0  }
0x24: {  	s3 =	sadd.s32 $0x88, s3;
	s6 =	simm.s32 @!p1 $0x1082;
	[sflag:s4] =	ssyncset.s32 $0xFFFFF086  }
0x25: {  	[simem:s6], [sflag:s4] =	dma.local [hbm:s3], $0xF7A  }
0x26: {  	[smem:$0x3F92] =	sst s1;
	(tag) =	ssettag s2;
	_ =	strace s9  }
0x27: {  	s1 =	sld [smem:$0x3FA2]  }
0x28: {  	s2 =	sld [smem:$0x3FA3]  }
0x29: {  	s4 =	sld [smem:$0x3FA5]  }
0x2a: {  	p0 =	seq.s32 s5, $0x0;
	s5 =	sld [smem:$0x3FA6]  }
0x2b: {  	s6 =	sld [smem:$0x3FA7]  }
0x2c: {  	s7 =	sld [smem:$0x3FA8]  }
0x2d: {  	s3 =	simm.s32 $0x108;
	s8 =	sld [smem:$0x3FA9]  }
0x2e: {  	s3 =	simm.s32 @!p0 $0x1082;
	s9 =	sld [smem:$0x3FAA]  }
0x2f: {  	lr =	sadd.s32 s0, s3;
	s0 =	sld [smem:$0x3FA1]  }
0x30: {  	s3 =	sld [smem:$0x3FA4]  }
0x31: {  	[smem:$0x3FAD] =	sst s10  }
0x32: {  	s10 =	sld [smem:$0x3FAB];
	_ =	sdelay $0x3  }
0x33: {  	p0 =	seq.s32 s10, $0x1;
	s10 =	sld [smem:$0x3FAD];
	_ =	sdelay $0x3  }
0x34: {  	[smem:$0x3FAD] =	sst s10  }
0x35: {  	s10 =	sld [smem:$0x3FAC];
	_ =	sdelay $0x3  }
0x36: {  	p1 =	seq.s32 s10, $0x1;
	s10 =	sld [smem:$0x3FAD];
	_ =	sdelay $0x3  }
0x37: {  	[smem:$0x3FAD] =	sst s10  }
0x38: {  	s10 =	sld [smem:$0x3FAE]  }
0x39: {  	_ = 	snop;
	(pc) =	sbr.ind lr, $3  }
0x3a: {  	_ = 	snop  }
0x3b: {  	_ = 	snop  }
0x3c: {  	p2 =	seq.s32 s10, $0x1;
	s10 =	sld [smem:$0x3FAD]  }
0x3d: {  	_ =	shalt  }
0x3e: {  	_ =	shalt  }
0x3f: {  	_ =	shalt  }
0x40: {  	_ =	shalt  }
0x41: {  	_ =	shalt  }
0x42: {  	_ =	shalt  }
0x43: {  	_ =	shalt  }
0x44: {  	_ =	shalt  }
0x45: {  	_ =	shalt  }
0x46: {  	_ =	shalt  }
0x47: {  	_ =	shalt  }
0x48: {  	_ =	shalt  }
0x49: {  	_ =	shalt  }
0x4a: {  	_ =	shalt  }
0x4b: {  	_ =	shalt  }
0x4c: {  	_ =	shalt  }
0x4d: {  	_ =	shalt  }
0x4e: {  	_ =	shalt  }
0x4f: {  	_ =	shalt  }
0x50: {  	_ =	shalt  }
0x51: {  	_ =	shalt  }
0x52: {  	_ =	shalt  }
0x53: {  	_ =	shalt  }
0x54: {  	_ =	shalt  }
0x55: {  	_ =	shalt  }
0x56: {  	_ =	shalt  }
0x57: {  	_ =	shalt  }
0x58: {  	_ =	shalt  }
0x59: {  	_ =	shalt  }
0x5a: {  	_ =	shalt  }
0x5b: {  	_ =	shalt  }
0x5c: {  	_ =	shalt  }
0x5d: {  	_ =	shalt  }
0x5e: {  	_ =	shalt  }
0x5f: {  	_ =	shalt  }
0x60: {  	_ =	shalt  }
0x61: {  	_ =	shalt  }
0x62: {  	_ =	shalt  }
0x63: {  	_ =	shalt  }
0x64: {  	_ =	shalt  }
0x65: {  	_ =	shalt  }
0x66: {  	_ =	shalt  }
0x67: {  	_ =	shalt  }
0x68: {  	_ =	shalt  }
0x69: {  	_ =	shalt  }
0x6a: {  	_ =	shalt  }
0x6b: {  	_ =	shalt  }
0x6c: {  	_ =	shalt  }
0x6d: {  	_ =	shalt  }
0x6e: {  	_ =	shalt  }
0x6f: {  	_ =	shalt  }
0x70: {  	_ =	shalt  }
0x71: {  	_ =	shalt  }
0x72: {  	_ =	shalt  }
0x73: {  	_ =	shalt  }
0x74: {  	_ =	shalt  }
0x75: {  	_ =	shalt  }
0x76: {  	_ =	shalt  }
0x77: {  	_ =	shalt  }
0x78: {  	_ =	shalt  }
0x79: {  	_ =	shalt  }
0x7a: {  	_ =	shalt  }
0x7b: {  	_ =	shalt  }
0x7c: {  	_ =	shalt  }
0x7d: {  	_ =	shalt  }
0x7e: {  	_ =	shalt  }
0x7f: {  	_ =	shalt  }
0x80: {  	_ =	shalt  }
0x81: {  	_ =	shalt  }
0x82: {  	_ =	shalt  }
0x83: {  	_ =	shalt  }
0x84: {  	_ =	shalt  }
0x85: {  	_ =	shalt  }
0x86: {  	_ =	shalt  }
0x87: {  	_ =	shalt  }
.Lfunc_end0:
.L_simem_size_0:
called_computation.1_lowered:
.L_overlay_start_0:
0x88: {  	s2 =	sld [smem:$0x3FD9]  }
0x89: {  	s3 =	sld [smem:$0x3FFE];
	_ =	sdelay $0x1  }
0x8a: {  	s1 =	srdreg.scid  }
0x8b: {  	s0 =	sand.u32 $0x1, s1  }
0x8c: {  	s16 =	sshll.u32 s0, $0xA;
	s2 =	sadd.s32 s3, s2  }
0x8d: {  	s2 =	sadd.s32 s2, s16  }
0x8e: {  	[smem:$0x3FB9] =	sst s2  }
0x8f: {  	_ = 	snop  }
0x90: {  	(tm) =	ssettm $0x1  }
0x91: {  	s17 =	sld [smem:$0x3FFB];
	_ =	sdelay $0x3  }
0x92: {  	_ =	strace s17  }
0x93: {  	s2 =	sld [smem:$0x3FFC];
	_ =	sdelay $0x3  }
0x94: {  	_ =	strace s2  }
0x95: {  	s2 =	sld [smem:$0x3FFD];
	_ =	sdelay $0x3  }
0x96: {  	_ =	strace s2  }
0x97: {  	_ =	strace $0x8FFFFFFF  }
0x98: {  	s18 =	sld [smem:$0x3FDB];
	_ =	sdelay $0x1  }
0x99: {  	s19 =	simm.s32 $_scs_section_size  }
0x9a: {  	s4 =	simm.s32 $_size__tile_overlayer_lowered;
	s5 =	simm.s32 $_tile_overlayer_lowered  }
0x9b: {  	s22 =	simm.s32 $0x1BFF;
	s21 =	sshll.u32 s5, $0x1;
	s2 =	sadd.s32 s19, s18  }
0x9c: {  	s6 =	simm.s32 $0x0;
	s20 =	sshll.u32 s4, $0x1;
	s4 =	sadd.s32 s21, s2  }
0x9d: {  	[timem:s6], [sflag:s22] =	dma.local [hbm:s4], s20  }
0x9e: {  	_ =	swait.ge [sflag:s22], s20  }
0x9f: {  	s3 =	ssub.s32 $0x0, s20;
	[sflag:s22] =	ssyncset.done $0x0  }
0xa0: {  	[sflag:s22] =	ssyncadd.s32 s3;
	_ =	sdelay $0x1  }
0xa1: {  	s23 =	simm.s32 $0x1B8B  }
0xa2: {  	_ =	swait.ge [sflag:s23], $0x1  }
0xa3: {  	[sflag:s23] =	ssyncset.done $0x0  }
0xa4: {  	s25 =	simm.s32 $0x1B8E;
	s24 =	sld [smem:$0x3FFE];
	[sflag:s23] =	ssyncadd.s32 $0xFFFFFFFF  }
0xa5: {  	s26 =	simm.s32 $execute0_lowered;
	[smem:$0x3FD2] =	sst s25  }
0xa6: {  	s4 =	sshll.u32 s26, $0x1;
	_ =	strace $0x80000049;
	[dreg:$0x1] =	wrdreg $0xFFFFFFFF  }
0xa7: {  	s28 =	simm.s32 $_size_execute0_lowered;
	s2 =	sadd.s32 s2, s4;
	[dreg:$0x0] =	wrdreg $0x0  }
0xa8: {  	s4 =	sshll.u32 s28, $0x1;
	[dreg:$0x2] =	wrdreg s2  }
0xa9: {  	[dreg:$0x3] =	wrdreg s4  }
0xaa: {  	[dreg:$0x4] =	wrdreg $0xC0  }
0xab: {  	_ =	task [dreg:s6], $0x5FFFF  }
0xac: {  	[dreg:$0x1] =	wrdreg $0xFFFFFFFF  }
0xad: {  	[dreg:$0x0] =	wrdreg $0x60  }
0xae: {  	[dreg:$0x2] =	wrdreg s24  }
0xaf: {  	[dreg:$0x3] =	wrdreg $0xB7800  }
0xb0: {  	[dreg:$0x4] =	wrdreg $0x9  }
0xb1: {  	_ =	task.clear_ibuf [dreg:s6], $0x5FFFF;
	_ =	strace $0x90000049  }
0xb2: {  	s29 =	simm.s32 $0x9;
	_ =	strace $0x8000004B  }
0xb3: {  	_ =	swait.ge [sflag:s29], $0x1  }
0xb4: {  	[sflag:s29] =	ssyncadd.s32 $0xFFFFFFFF  }
0xb5: {  	_ =	strace $0x9000004B  }
0xb6: {  	_ =	sfence  }
0xb7: {  	s30 =	sld [smem:$0x0];
	_ =	sdelay $0x2  }
0xb8: {  	s31 =	sshll.u32 s1, $0xD;
	s1 =	sshrl.u32 s1, $0x2  }
0xb9: {  	s3 =	sand.u32 $0x4000, s31;
	s1 =	sadd.s32 s1, s30  }
0xba: {  	s0 =	sor.u32 s3, s0;
	s1 =	sshll.u32 s1, $0x11  }
0xbb: {  	s0 =	sor.u32 s1, s0  }
0xbc: {  	s0 =	sadd.s32 $0x8F2B, s0  }
0xbd: {  	[sflag:s0] =	ssyncadd.remote.s32 $0x1  }
0xbe: {  	_ =	sfence.sel $0xFFFF  }
0xbf: {  	[dreg:$0x0] =	wrdreg $0xFFFFFFFF;
	(pc) =	sbr.abs _section_cstart, $3  }
0xc0: {  	[dreg:$0x1] =	wrdreg $0xFFFFFFFF  }
0xc1: {  	_ =	task.clear_ibuf [dreg:s6], $0x2FFFF;
	_ =	strace $0x9FFFFFFF  }
0xc2: {  	(tm) =	ssettm $0x7FFFFFFF  }
0xc3: {  	_ =	shalt  }
tec
execute0_lowered:
.L_overlay_start_1:
0x0: {  	(tag) =	ssettag $0x1  }
0x1: {  	s5 =	rddreg [dreg:$0x0]  }
0x2: {  	s6 =	rddreg [dreg:$0x1]  }
0x3: {  	s1 =	srdreg.scid;
	s0 =	rddreg [dreg:$0x2];
	s2 =	simm.s32 $0x0  }
0x4: {  	s16 =	simm.s32 $0x50;
	s17 =	simm.s32 $0x6780;
	s7 =	sand.u32 $0x1, s1  }
0x5: {  	s18 =	simm.s32 $0x8F80;
	s1 =	stileid.u32;
	s4 =	smul.u32 $0x27100, s7  }
0x6: {  	s19 =	simm.s32 $0x2;
	s20 =	simm.s32 $0x26C0;
	s8 =	smul.u32 $0x2710, s1  }
0x7: {  	s21 =	simm.s32 $0x0;
	[smem:$0x7FF] =	sst s2;
	s28 =	smul.u32 $0x14000, s1  }
0x8: {  	s3 =	sshll.u32 s7, $0x4;
	_ =	strace $0x8000004A;
	s11 =	smul.u32 $0x140000, s7  }
0x9: {  	s7 =	ssub.s32 $0x2, s7;
	s30 =	smul.u32 $0x50000, s1;
	s3 =	sor.u32 s1, s3  }
0xa: {  	s13 =	sshrl.u32 s7, $0x1;
	s9 =	smul.u32 $0x2710, s3;
	s3 =	sadd.s32 $0x3E600, s5  }
0xb: {  	s4 =	sadd.s32 s8, s4;
	s29 =	sshrl.u32 s28, $0x3;
	s8 =	sadd.s32 s28, s11  }
0xc: {  	s13 =	ssub.s32 s7, s13;
	s31 =	sshrl.u32 s30, $0x2;
	s10 =	sshrl.u32 s4, $0x3  }
0xd: {  	s8 =	sshrl.u32 s8, $0x3;
	s15 =	sadd.s32 s31, s6;
	s6 =	sshll.u32 s1, $0x6  }
0xe: {  	s9 =	sshrl.u32 s9, $0x3;
	s12 =	sadd.s32 s10, s5;
	s10 =	sadd.s32 s29, s5  }
0xf: {  	s14 =	sadd.s32 s8, s5;
	s7 =	sor.u32 $0x1C03, s6;
	s9 =	sadd.s32 s9, s5  }
0x10: {  	s5 =	sadd.s32 $0x16600, s10;
	s10 =	smax.u32 s13, $0x1;
	s11 =	sadd.s32 $0x2A00, s12  }
0x11: {  	s12 =	sshrl.u32 s15, $0x3;
	s13 =	simm.s32 $0x4;
	s15 =	simm.s32 $0x3  }
0x12: {  	s8 =	sadd.s32 $0xC800, s9;
	s9 =	sadd.s32 $0x65800, s14;
	s14 =	simm.s32 $0x1  }
.LBB2_1:
0x13: {  	[spmem:s12], [sflag:s7] =	dma.local [hbm:s5], $0x2800  }
0x14: {  	[tilespmem:s2], [sflag:$0x4] =	stream.linear.gather [hbm4b:s8+s2], $0x2710, $0x38;
	[tilespmem:$0x1F780] =	vst v63  }
0x15: {  	_ =	swait.ge [sflag:s13], $0x2710  }
0x16: {  	[sflag:s13] =	ssyncset.done $0x0  }
0x17: {  	s22 =	simm.s32 $0x2780;
	s23 =	simm.s32 $0x0;
	[sflag:s13] =	ssyncadd.s32 $0xFFFFD8F0  }
.LBB2_2:
0x18: {  	p0 =	sne.s32 s23, $0x4D8  }
.Ltmp0:
0x19: {  	_ = 	snop;
	(pc) =	sbr.rel @p0 .LBB2_2-.Ltmp0, $4  }
0x1a: {  	_ = 	snop  }
0x1b: {  	s24 =	sadd.s32 s23, s11  }
0x1c: {  	[tilespmem:s22], [sflag:$0x1] =	stream.linear.gather [hbm4b:s24+s2], $0x50, $0x38;
	[tilespmem:$0x1F780] =	vst v63  }
0x1d: {  	s23 =	sadd.s32 $0xA, s23;
	s22 =	sadd.s32 $0x80, s22  }
0x1e: {  	s22 =	simm.s32 $0x7D  }
.LBB2_4:
0x1f: {  	p0 =	sne.s32 s22, $0x1  }
.Ltmp1:
0x20: {  	_ = 	snop;
	(pc) =	sbr.rel @p0 .LBB2_4-.Ltmp1, $4  }
0x21: {  	_ = 	snop  }
0x22: {  	_ =	swait.ge [sflag:s14], $0x50  }
0x23: {  	[sflag:s14] =	ssyncset.done $0x0  }
0x24: {  	s22 =	sadd.s32 $0xFFFFFFFF, s22;
	[sflag:s14] =	ssyncadd.s32 $0xFFFFFFB0  }
0x25: {  	s22 =	simm.s32 $0x27A0  }
0x26: {  	s23 =	simm.s32 $0x20;
	s26 =	sadd.s32 $0x0, s4;
	s24 =	simm.s32 $0x50;
	v0 =	vld [tilespmem:s22+$0xFFFFFFE0]  }
.LBB2_6:
0x27: {  	p0 =	sne.s32 s24, $0x26C0;
	s26 =	smulhi.u32 $0xD1B71759, s26;
	v1 =	vld [tilespmem:s23+$0xFFFFFFE0];
	s25 =	smov.u32 s22  }
0x28: {  	_ = 	snop  }
0x29: {  	s26 =	sshrl.u32 s26, $0xF  }
0x2a: {  	s26 =	smul.u32 $0x4E2, s26;
	_ =	sdelay $0x1  }
0x2b: {  	vm0 =	vge.s32 v1, s26;
	vm1 =	vge.s32 v0, s26  }
0x2c: {  	vm0 =	vmand vm0, vm1  }
0x2d: {  	v0 =	vnsel vm0, $0x2710, v0  }
0x2e: {  	[tilespmem:s22+$0xFFFFFFE0] =	vst v0;
	v0 =	vld [tilespmem:s22+$0xFFFFFFF0]  }
0x2f: {  	v1 =	vld [tilespmem:s23+$0xFFFFFFF0];
	_ =	sdelay $0x4  }
0x30: {  	vm1 =	vge.s32 v0, s26;
	vm0 =	vge.s32 v1, s26  }
0x31: {  	vm0 =	vmand vm0, vm1  }
0x32: {  	v0 =	vnsel vm0, $0x2710, v0  }
0x33: {  	[tilespmem:s22+$0xFFFFFFF0] =	vst v0;
	v0 =	vld [tilespmem:s22+$0x0]  }
0x34: {  	v1 =	vld [tilespmem:s23+$0x0];
	_ =	sdelay $0x4  }
0x35: {  	vm1 =	vge.s32 v0, s26;
	vm0 =	vge.s32 v1, s26  }
0x36: {  	vm0 =	vmand vm0, vm1  }
0x37: {  	v0 =	vnsel vm0, $0x2710, v0  }
0x38: {  	[tilespmem:s22+$0x0] =	vst v0;
	v0 =	vld [tilespmem:s22+$0x10]  }
0x39: {  	v1 =	vld [tilespmem:s23+$0x10];
	_ =	sdelay $0x4  }
0x3a: {  	vm1 =	vge.s32 v0, s26;
	vm0 =	vge.s32 v1, s26  }
0x3b: {  	vm0 =	vmand vm0, vm1  }
0x3c: {  	v0 =	vnsel vm0, $0x2710, v0  }
0x3d: {  	[tilespmem:s22+$0x10] =	vst v0;
	v0 =	vld [tilespmem:s22+$0x20]  }
0x3e: {  	v1 =	vld [tilespmem:s23+$0x20];
	_ =	sdelay $0x3  }
.Ltmp2:
0x3f: {  	(pc) =	sbr.rel @p0 .LBB2_6-.Ltmp2, $4  }
0x40: {  	vm1 =	vge.s32 v0, s26;
	vm0 =	vge.s32 v1, s26  }
0x41: {  	vm0 =	vmand vm0, vm1  }
0x42: {  	s22 =	sadd.s32 $0x80, s22;
	v1 =	vnsel vm0, $0x2710, v0  }
0x43: {  	s23 =	sadd.s32 $0x50, s23;
	s26 =	sadd.s32 s24, s4;
	s24 =	sadd.s32 $0x50, s24;
	v0 =	vld [tilespmem:s22+$0xFFFFFFE0];
	[tilespmem:s25+$0x20] =	vst v1  }
0x44: {  	s24 =	smulhi.u32 $0xD1B71759, s26;
	v1 =	vld [tilespmem:s23+$0xFFFFFFE0];
	_ =	sdelay $0x1  }
0x45: {  	s24 =	sshrl.u32 s24, $0xF  }
0x46: {  	s24 =	smul.u32 $0x4E2, s24;
	_ =	sdelay $0x1  }
0x47: {  	vm0 =	vge.s32 v1, s24;
	vm1 =	vge.s32 v0, s24  }
0x48: {  	vm0 =	vmand vm0, vm1  }
0x49: {  	v55 =	vnsel vm0, $0x2710, v0  }
0x4a: {  	v56 =	vld [tilespmem:s22+$0xFFFFFFF0];
	[tilespmem:s22+$0xFFFFFFE0] =	vst v55  }
0x4b: {  	v57 =	vld [tilespmem:s23+$0xFFFFFFF0];
	_ =	sdelay $0x4  }
0x4c: {  	vm9 =	vge.s32 v56, s24;
	vm8 =	vge.s32 v57, s24  }
0x4d: {  	vm0 =	vmand vm8, vm9  }
0x4e: {  	v0 =	vnsel vm0, $0x2710, v56  }
0x4f: {  	v58 =	vld [tilespmem:s22+$0x0];
	[tilespmem:s22+$0xFFFFFFF0] =	vst v0  }
0x50: {  	v59 =	vld [tilespmem:s23+$0x0];
	_ =	sdelay $0x4  }
0x51: {  	vm11 =	vge.s32 v58, s24;
	vm10 =	vge.s32 v59, s24  }
0x52: {  	vm0 =	vmand vm10, vm11  }
0x53: {  	v0 =	vnsel vm0, $0x2710, v58  }
0x54: {  	v60 =	vld [tilespmem:s22+$0x10];
	[tilespmem:s22+$0x0] =	vst v0  }
0x55: {  	v61 =	vld [tilespmem:s23+$0x10];
	_ =	sdelay $0x4  }
0x56: {  	vm13 =	vge.s32 v60, s24;
	vm12 =	vge.s32 v61, s24  }
0x57: {  	vm0 =	vmand vm12, vm13  }
0x58: {  	v0 =	vnsel vm0, $0x2710, v60  }
0x59: {  	v62 =	vld [tilespmem:s22+$0x20];
	[tilespmem:s22+$0x10] =	vst v0  }
0x5a: {  	v63 =	vld [tilespmem:s23+$0x20];
	_ =	sdelay $0x4  }
0x5b: {  	vm15 =	vge.s32 v62, s24;
	vm14 =	vge.s32 v63, s24  }
0x5c: {  	vm0 =	vmand vm14, vm15  }
0x5d: {  	v0 =	vnsel vm0, $0x2710, v62  }
0x5e: {  	[tilespmem:s22+$0x20] =	vst v0  }
0x5f: {  	_ =	swait.ge [sflag:s15], $0x2800  }
0x60: {  	[sflag:s15] =	ssyncset.done $0x0  }
0x61: {  	[sflag:s15] =	ssyncadd.s32 $0xFFFFD800  }
0x62: {  	[bflag:$0x0] =	sbarrier.arrive $0xFFFF  }
0x63: {  	[tilespmem:s17], [sflag:$0x1] =	stream.indirect.gather [hbm4b:s3+s16], $0x80, s2, s16, $0xb8;
	[tilespmem:$0x1F780] =	vst v63  }
0x64: {  	_ = 	snop  }
0x65: {  	[tilespmem:s18], [sflag:$0x2] =	stream.indirect.gather [hbm4b:s3+s16], $0x80, s16, s16, $0xb8;
	[tilespmem:$0x1F780] =	vst v63  }
0x66: {  	_ =	swait.ge [sflag:s14], $0x2800  }
0x67: {  	[sflag:s14] =	ssyncset.done $0x0  }
0x68: {  	s31 =	simm.s32 $0xA0;
	[sflag:s14] =	ssyncadd.s32 $0xFFFFD800  }
0x69: {  	[tilespmem:s17], [sflag:$0x1] =	stream.indirect.gather [hbm4b:s3+s16], $0x80, s31, s16, $0xb8;
	[tilespmem:$0x1F780] =	vst v63  }
0x6a: {  	_ =	swait.ge [sflag:s19], $0x2800  }
0x6b: {  	[sflag:s19] =	ssyncset.done $0x0  }
0x6c: {  	s23 =	simm.s32 $0xF0;
	s22 =	simm.s32 $0xFFFF6A00;
	[sflag:s19] =	ssyncadd.s32 $0xFFFFD800  }
.LBB2_8:
0x6d: {  	[tilespmem:s18], [sflag:$0x2] =	stream.indirect.gather [hbm4b:s3+s16], $0x80, s23, s16, $0xb8;
	[tilespmem:$0x1F780] =	vst v63  }
0x6e: {  	s23 =	smov.u32 s22  }
0x6f: {  	p0 =	sne.s32 s22, $0xFFFFFD80;
	s22 =	sadd.s32 $0x280, s22;
	_ =	swait.ge [sflag:s14], $0x2800  }
0x70: {  	s23 =	sshra.s32 s23, $0x2;
	[sflag:s14] =	ssyncset.done $0x0  }
.Ltmp3:
0x71: {  	s24 =	sadd.s32 $0x26C0, s23;
	[sflag:s14] =	ssyncadd.s32 $0xFFFFD800;
	(pc) =	sbr.rel @p0 .LBB2_8-.Ltmp3, $4  }
0x72: {  	[tilespmem:s17], [sflag:$0x1] =	stream.indirect.gather [hbm4b:s3+s16], $0x80, s24, s16, $0xb8;
	[tilespmem:$0x1F780] =	vst v63  }
0x73: {  	_ =	swait.ge [sflag:s19], $0x2800  }
0x74: {  	[sflag:s19] =	ssyncset.done $0x0  }
0x75: {  	s23 =	sadd.s32 $0x2710, s23;
	[sflag:s19] =	ssyncadd.s32 $0xFFFFD800  }
0x76: {  	[tilespmem:s18], [sflag:$0x2] =	stream.indirect.gather [hbm4b:s3+s16], $0x80, s23, s16, $0xb8;
	[tilespmem:$0x1F780] =	vst v63  }
0x77: {  	_ =	swait.ge [sflag:s14], $0x2800  }
0x78: {  	[sflag:s14] =	ssyncset.done $0x0  }
0x79: {  	[sflag:s14] =	ssyncadd.s32 $0xFFFFD800  }
0x7a: {  	[tilespmem:s17], [sflag:$0x1] =	stream.indirect.gather [hbm4b:s3+s16], $0x80, s20, s16, $0xb8;
	[tilespmem:$0x1F780] =	vst v63  }
0x7b: {  	_ =	swait.ge [sflag:s19], $0x2800  }
0x7c: {  	[sflag:s19] =	ssyncset.done $0x0  }
0x7d: {  	[sflag:s19] =	ssyncadd.s32 $0xFFFFD800  }
0x7e: {  	_ =	swait.ge [sflag:s14], $0x2800  }
0x7f: {  	s21 =	sadd.s32 $0x1, s21;
	[sflag:s14] =	ssyncset.done $0x0  }
0x80: {  	p0 =	sne.s32 s21, s10;
	[sflag:s14] =	ssyncadd.s32 $0xFFFFD800  }
.Ltmp4:
0x81: {  	s22 =	sor.u32 $0x1C04, s6;
	[bflag:$0x0] =	sbarrier.arrive $0xFFFF;
	(pc) =	sbr.rel @p0 .LBB2_1-.Ltmp4, $4  }
0x82: {  	[hbm:s9], [sflag:s22] =	dma.local [spmem:s12], $0x2800  }
0x83: {  	_ =	swait.ge [sflag:s13], $0x2800  }
0x84: {  	[sflag:s13] =	ssyncset.done $0x0  }
0x85: {  	[sflag:s13] =	ssyncadd.s32 $0xFFFFD800  }
0x86: {  	_ =	sfence.sel $0x180000  }
0x87: {  	[bflag:$0x0] =	sbarrier.arrive $0xFFFF  }
0x88: {  	p0 =	sne.s32 s1, $0x0;
	_ =	strace $0x9000004A  }
0x89: {  	s0 =	sadd.s32 @!p0 $0x100000, s0;
	[bflag:$0x2] =	sbarrier.arrive $0xFFFF  }
0x8a: {  	[sflag:s0] =	ssyncadd.tile.s32 @!p0 $0x1;
	_ =	shalt  }
.Lfunc_end2:
_tile_overlayer_lowered:
.L_overlay_start_2:
0x8b: {  	(tag) =	ssettag $0x2  }
0x8c: {  	s0 =	rddreg [dreg:$0x0];
	s2 =	stileid.u32  }
0x8d: {  	s1 =	rddreg [dreg:$0x1];
	p0 =	sne.s32 s2, $0x0  }
0x8e: {  	s3 =	rddreg [dreg:$0x2];
	[bflag:$0x3] =	sbarrier.arrive $0xFFFF;
	s2 =	simm.s32 @!p0 $0x1C04  }
0x8f: {  	[timem:s3], [sflag:s2] =	dma.local @!p0 [hbm:s0], s1  }
0x90: {  	s0 =	simm.s32 @!p0 $0x4  }
0x91: {  	_ =	swait.ge @!p0 [sflag:s0], s1  }
0x92: {  	s1 =	ssub.s32 @!p0 $0x0, s1;
	[sflag:s0] =	ssyncset.done @!p0 $0x0  }
0x93: {  	[sflag:s0] =	ssyncadd.s32 @!p0 s1  }
0x94: {  	[bflag:$0x3] =	sbarrier.arrive $0xFFFF  }
0x95: {  	_ =	shalt  }

</sc_bundles>
